<compile_context>
chip_gen: v7x
topology: tpu7x:2x2x1
jax: 0.10.2.dev20260603
libtpu: 0.0.44.dev20260713+nightly
codegen_flags: <defaults>
</compile_context>

<pallas_src>
import functools

import jax
import jax.numpy as jnp
from jax import lax
from jax.experimental import pallas as pl
from jax.experimental.pallas import tpu as pltpu
from jax.experimental.pallas import tpu_sc as plsc

NC = 2
NS = 16
NW = NC * NS
LANE = 128
SUB = 8
G = 2


def _emb_lookup(b: int, h: int, d: int):
    bpw = b // NW
    nbc = bpw // LANE
    ndr = d // SUB
    ngrid = b // LANE
    hw = ndr * nbc * SUB * LANE
    nb = h // G
    assert bpw * NW == b and nbc * LANE == bpw and ndr * SUB == d
    assert nb * G == h

    @functools.partial(
        pl.kernel,
        mesh=plsc.VectorSubcoreMesh(core_axis_name="c", subcore_axis_name="s"),
        out_type=jax.ShapeDtypeStruct((h * ndr * ngrid * SUB * LANE,),
                                      jnp.float32),
        scratch_types=[
            pltpu.VMEM((2, G * bpw), jnp.int32),
            pltpu.VMEM((2, G * bpw, d), jnp.float32),
            pltpu.VMEM((2 * hw,), jnp.float32),
            pltpu.SemaphoreType.DMA,
            pltpu.SemaphoreType.DMA,
            pltpu.SemaphoreType.DMA,
        ],
        compiler_params=pltpu.CompilerParams(
            use_tc_tiling_on_sc=False, needs_layout_passes=False,
            disable_bounds_checks=True),
    )
    def body(idx_hbm, table_hbm, out_hbm, idx_v, rows_v, obuf,
             sem_i, sem_g, sem_w):
        wid = lax.axis_index("s") * NC + lax.axis_index("c")
        b0 = wid * bpw
        bc0 = wid * nbc
        iota16 = jax.lax.iota(jnp.int32, 16)
        perm_lo = (iota16 // SUB) * (nbc * SUB * LANE) + (iota16 % SUB) * LANE
        perm_hi = perm_lo + (16 // SUB) * (nbc * SUB * LANE)

        def stage(bi, slot):
            for g in range(G):
                pltpu.async_copy(
                    idx_hbm.at[pl.ds((bi * G + g) * b + b0, bpw)],
                    idx_v.at[slot, pl.ds(g * bpw, bpw)], sem_i)

        def wait_stage(slot):
            for g in range(G):
                pltpu.make_async_copy(
                    idx_hbm.at[pl.ds(b0, bpw)],
                    idx_v.at[slot, pl.ds(0, bpw)], sem_i).wait()

        def gather(slot):
            pltpu.async_copy(
                table_hbm.at[idx_v.at[slot]], rows_v.at[slot], sem_g)

        def wait_gather(slot):
            pltpu.make_async_copy(
                table_hbm.at[idx_v.at[slot]], rows_v.at[slot], sem_g).wait()

        def fire_out(bi):
            for g in range(G):
                for dr in range(ndr):
                    pltpu.async_copy(
                        obuf.at[pl.ds(g * hw + dr * nbc * SUB * LANE,
                                      nbc * SUB * LANE)],
                        out_hbm.at[pl.ds(
                            (((bi * G + g) * ndr + dr) * ngrid + bc0)
                            * SUB * LANE,
                            nbc * SUB * LANE)],
                        sem_w)

        def wait_out():
            for _ in range(G * ndr):
                pltpu.make_async_copy(
                    obuf.at[pl.ds(0, nbc * SUB * LANE)],
                    out_hbm.at[pl.ds(0, nbc * SUB * LANE)], sem_w).wait()

        stage(0, 0)
        wait_stage(0)
        gather(0)
        stage(1, 1)

        def batch(bi, carry):
            slot = lax.rem(bi, 2)

            @pl.when(bi + 1 < nb)
            def _():
                wait_stage(1 - slot)
            wait_gather(slot)

            @pl.when(bi + 1 < nb)
            def _():
                gather(1 - slot)

            @pl.when(bi + 2 < nb)
            def _():
                stage(bi + 2, slot)

            @pl.when(bi >= 1)
            def _():
                wait_out()

            rows = rows_v.at[slot]

            @plsc.parallel_loop(0, G * bpw, unroll=8)
            def _(j):
                hsub = j // bpw
                jj = lax.rem(j, bpw)
                cj = (hsub * hw + (jj // LANE) * (SUB * LANE)
                      + lax.rem(jj, LANE))
                plsc.store_scatter(obuf, [perm_lo + cj],
                                   rows[j, pl.ds(0, 16)])
                plsc.store_scatter(obuf, [perm_hi + cj],
                                   rows[j, pl.ds(16, 16)])

            fire_out(bi)
            return carry

        lax.fori_loop(0, nb, batch, 0)
        wait_out()

    return body


def kernel(token_ids, weights):
    b, h = token_ids.shape
    d = weights.shape[1]
    flat_t = token_ids.T.reshape(-1).astype(jnp.int32)
    out1 = _emb_lookup(b, h, d)(flat_t, weights)
    out5 = out1.reshape(h, d // SUB, b // LANE, SUB, LANE)
    return out5.transpose(2, 4, 0, 1, 3).reshape(b, h, d)

# --- scband reference (transcript-rebuilt; emitter-appended) ---
"""Pipeline reference for scband-embedding-16793322127909 (READ-ONLY COPY).

The authoritative reference and input builder live on the scoring server;
editing this copy changes nothing except your own understanding.
"""

import jax, jax.numpy as jnp
import numpy as np

NUM_EMBEDDINGS = 1000000
EMBEDDING_DIM = 32
BATCH = 16384
HIST = 50

def setup_inputs(seed: int = 0) -> dict:
    key = jax.random.key(seed)
    k_ids, k_w = jax.random.split(key)
    token_ids = jax.random.randint(k_ids, (BATCH, HIST), 0, NUM_EMBEDDINGS, dtype=jnp.int64 if jax.config.jax_enable_x64 else jnp.int32)
    # trunc_normal_(mean=0, std=1, a=-3, b=3) approximated by truncated normal
    weights = jax.random.truncated_normal(k_w, -3.0, 3.0, (NUM_EMBEDDINGS, EMBEDDING_DIM), dtype=jnp.float32)
    return {"token_ids": token_ids, "weights": weights}

def reference(token_ids, weights):
    # Faithful translation of: return self.weights[token_ids]
    return jnp.take(weights, token_ids, axis=0)

if __name__ == "__main__":
    import jax
    _d = setup_inputs()
    print(jax.jit(kernel)(*tuple(_d.values())))

</pallas_src>

<mosaic_0001>
#map = affine_map<(d0, d1) -> (0)>
#map1 = affine_map<(d0, d1) -> (0, 0)>
module attributes {stable_mosaic.version = 14 : i64} {
  func.func @body(%arg0: i32, %arg1: i32, %arg2: memref<819200xi32, #tpu.memory_space<hbm>>, %arg3: memref<1000000x32xf32, #tpu.memory_space<hbm>>, %arg4: memref<26214400xf32, #tpu.memory_space<hbm>>, %arg5: memref<2x1024xi32, #tpu.memory_space<vmem>>, %arg6: memref<2x1024x32xf32, #tpu.memory_space<vmem>>, %arg7: memref<32768xf32, #tpu.memory_space<vmem>>, %arg8: memref<!tpu.dma_semaphore, #tpu.memory_space<semaphore_mem>>, %arg9: memref<!tpu.dma_semaphore, #tpu.memory_space<semaphore_mem>>, %arg10: memref<!tpu.dma_semaphore, #tpu.memory_space<semaphore_mem>>) attributes {dimension_semantics = [#tpu.dimension_semantics<core_parallel>, #tpu.dimension_semantics<subcore_parallel>], iteration_bounds = array<i64: 2, 16>, scalar_prefetch = 0 : i64, scratch_operands = 6 : i64, tpu.core_type = #tpu.core_type<sc_vector_subcore>, window_params = [{transform_indices = #map}, {transform_indices = #map1}, {transform_indices = #map}]} {
    %mul3A = arith.constant 2 : i32
    %mul3A_0 = arith.muli %arg1, %mul3A : i32
    %add3A = arith.addi %mul3A_0, %arg0 : i32
    %mul3A_1 = arith.constant 512 : i32
    %mul3A_2 = arith.muli %add3A, %mul3A_1 : i32
    %mul3A_3 = arith.constant 4 : i32
    %mul3A_4 = arith.muli %add3A, %mul3A_3 : i32
    %iota3A = tpu.iota {dimensions = array<i32: 0>} : vector<16xi32>
    %jit3A = arith.constant 8 : i32
    %div3A = vector.broadcast %jit3A : i32 to vector<16xi32>
    %div3A_5 = arith.divsi %iota3A, %div3A : vector<16xi32>
    %sign3A = arith.constant 0 : i32
    %sign3A_6 = vector.broadcast %sign3A : i32 to vector<16xi32>
    %sign3A_7 = arith.cmpi sgt, %iota3A, %sign3A_6 : vector<16xi32>
    %sign3A_8 = arith.extui %sign3A_7 : vector<16xi1> to vector<16xi32>
    %sign3A_9 = arith.constant 0 : i32
    %sign3A_10 = vector.broadcast %sign3A_9 : i32 to vector<16xi32>
    %sign3A_11 = arith.cmpi slt, %iota3A, %sign3A_10 : vector<16xi32>
    %sign3A_12 = arith.extui %sign3A_11 : vector<16xi1> to vector<16xi32>
    %sign3A_13 = arith.subi %sign3A_8, %sign3A_12 : vector<16xi32>
    %sign3A_14 = arith.constant 0 : i32
    %sign3A_15 = arith.cmpi sgt, %jit3A, %sign3A_14 : i32
    %sign3A_16 = arith.extui %sign3A_15 : i1 to i32
    %sign3A_17 = arith.constant 0 : i32
    %sign3A_18 = arith.cmpi slt, %jit3A, %sign3A_17 : i32
    %sign3A_19 = arith.extui %sign3A_18 : i1 to i32
    %sign3A_20 = arith.subi %sign3A_16, %sign3A_19 : i32
    %ne3A = vector.broadcast %sign3A_20 : i32 to vector<16xi32>
    %ne3A_21 = arith.cmpi ne, %sign3A_13, %ne3A : vector<16xi32>
    %rem3A = vector.broadcast %jit3A : i32 to vector<16xi32>
    %rem3A_22 = arith.remsi %iota3A, %rem3A : vector<16xi32>
    %ne3A_23 = arith.constant 0 : i32
    %ne3A_24 = vector.broadcast %ne3A_23 : i32 to vector<16xi32>
    %ne3A_25 = arith.cmpi ne, %rem3A_22, %ne3A_24 : vector<16xi32>
    %and3A = arith.andi %ne3A_21, %ne3A_25 : vector<16xi1>
    %sub3A = arith.constant 1 : i32
    %sub3A_26 = vector.broadcast %sub3A : i32 to vector<16xi32>
    %sub3A_27 = arith.subi %div3A_5, %sub3A_26 : vector<16xi32>
    %select_n3A = arith.select %and3A, %sub3A_27, %div3A_5 : vector<16xi1>, vector<16xi32>
    %mul3A_28 = arith.constant 4096 : i32
    %mul3A_29 = vector.broadcast %mul3A_28 : i32 to vector<16xi32>
    %mul3A_30 = arith.muli %select_n3A, %mul3A_29 : vector<16xi32>
    %jit3A_31 = arith.constant 8 : i32
    %eq3A = arith.constant 0 : i32
    %eq3A_32 = arith.cmpi eq, %jit3A_31, %eq3A : i32
    %jit3A_33 = arith.constant 1 : i32
    %select_n3A_34 = arith.select %eq3A_32, %jit3A_33, %jit3A_31 : i32
    %rem3A_35 = vector.broadcast %select_n3A_34 : i32 to vector<16xi32>
    %rem3A_36 = arith.remsi %iota3A, %rem3A_35 : vector<16xi32>
    %ne3A_37 = arith.constant 0 : i32
    %ne3A_38 = vector.broadcast %ne3A_37 : i32 to vector<16xi32>
    %ne3A_39 = arith.cmpi ne, %rem3A_36, %ne3A_38 : vector<16xi32>
    %lt3A = arith.constant 0 : i32
    %lt3A_40 = vector.broadcast %lt3A : i32 to vector<16xi32>
    %lt3A_41 = arith.cmpi slt, %rem3A_36, %lt3A_40 : vector<16xi32>
    %lt3A_42 = arith.constant 0 : i32
    %lt3A_43 = arith.cmpi slt, %select_n3A_34, %lt3A_42 : i32
    %ne3A_44 = vector.broadcast %lt3A_43 : i1 to vector<16xi1>
    %ne3A_45 = vector.broadcast %ne3A_44 : vector<16xi1> to vector<16xi1>
    %ne3A_46 = arith.xori %lt3A_41, %ne3A_45 : vector<16xi1>
    %and3A_47 = arith.andi %ne3A_46, %ne3A_39 : vector<16xi1>
    %add3A_48 = vector.broadcast %select_n3A_34 : i32 to vector<16xi32>
    %add3A_49 = arith.addi %rem3A_36, %add3A_48 : vector<16xi32>
    %select_n3A_50 = arith.select %and3A_47, %add3A_49, %rem3A_36 : vector<16xi1>, vector<16xi32>
    %mul3A_51 = arith.constant 128 : i32
    %mul3A_52 = vector.broadcast %mul3A_51 : i32 to vector<16xi32>
    %mul3A_53 = arith.muli %select_n3A_50, %mul3A_52 : vector<16xi32>
    %add3A_54 = arith.addi %mul3A_30, %mul3A_53 : vector<16xi32>
    %add3A_55 = arith.constant 8192 : i32
    %add3A_56 = vector.broadcast %add3A_55 : i32 to vector<16xi32>
    %add3A_57 = arith.addi %add3A_54, %add3A_56 : vector<16xi32>
    %add3A_58 = arith.constant 0 : i32
    %add3A_59 = arith.addi %add3A_58, %mul3A_2 : i32
    %dma_start3A = arith.constant 0 : i32
    %dma_start3A_60 = arith.constant 0 : i32
    %dma_start3A_61 = tpu.memref_slice %arg5[%dma_start3A, %dma_start3A_60] : memref<2x1024xi32, #tpu.memory_space<vmem>> -> memref<1x512xi32, #tpu.memory_space<vmem>>
    %dma_start3A_62 = tpu.memref_squeeze %dma_start3A_61 : memref<1x512xi32, #tpu.memory_space<vmem>> -> memref<512xi32, #tpu.memory_space<vmem>>
    %dma_start3A_63 = tpu.memref_slice %arg2[%add3A_59] : memref<819200xi32, #tpu.memory_space<hbm>> -> memref<512xi32, #tpu.memory_space<hbm>>
    %dma_start3A_64 = arith.constant 0 : i32
    %dma_start3A_65 = tpu.memref_slice %arg5[%dma_start3A, %dma_start3A_64] : memref<2x1024xi32, #tpu.memory_space<vmem>> -> memref<1x512xi32, #tpu.memory_space<vmem>>
    %dma_start3A_66 = tpu.memref_squeeze %dma_start3A_65 : memref<1x512xi32, #tpu.memory_space<vmem>> -> memref<512xi32, #tpu.memory_space<vmem>>
    %dma_start3A_67 = tpu.memref_slice %arg2[%add3A_59] : memref<819200xi32, #tpu.memory_space<hbm>> -> memref<512xi32, #tpu.memory_space<hbm>>
    tpu.enqueue_dma source(%dma_start3A_67 : memref<512xi32, #tpu.memory_space<hbm>>) target(%dma_start3A_66 : memref<512xi32, #tpu.memory_space<vmem>>) target_semaphore(%arg8 : memref<!tpu.dma_semaphore, #tpu.memory_space<semaphore_mem>>)
    %add3A_68 = arith.constant 16384 : i32
    %add3A_69 = arith.addi %add3A_68, %mul3A_2 : i32
    %dma_start3A_70 = arith.constant 0 : i32
    %dma_start3A_71 = arith.constant 512 : i32
    %dma_start3A_72 = tpu.memref_slice %arg5[%dma_start3A_70, %dma_start3A_71] : memref<2x1024xi32, #tpu.memory_space<vmem>> -> memref<1x512xi32, #tpu.memory_space<vmem>>
    %dma_start3A_73 = tpu.memref_squeeze %dma_start3A_72 : memref<1x512xi32, #tpu.memory_space<vmem>> -> memref<512xi32, #tpu.memory_space<vmem>>
    %dma_start3A_74 = tpu.memref_slice %arg2[%add3A_69] : memref<819200xi32, #tpu.memory_space<hbm>> -> memref<512xi32, #tpu.memory_space<hbm>>
    %dma_start3A_75 = arith.constant 512 : i32
    %dma_start3A_76 = tpu.memref_slice %arg5[%dma_start3A_70, %dma_start3A_75] : memref<2x1024xi32, #tpu.memory_space<vmem>> -> memref<1x512xi32, #tpu.memory_space<vmem>>
    %dma_start3A_77 = tpu.memref_squeeze %dma_start3A_76 : memref<1x512xi32, #tpu.memory_space<vmem>> -> memref<512xi32, #tpu.memory_space<vmem>>
    %dma_start3A_78 = tpu.memref_slice %arg2[%add3A_69] : memref<819200xi32, #tpu.memory_space<hbm>> -> memref<512xi32, #tpu.memory_space<hbm>>
    tpu.enqueue_dma source(%dma_start3A_78 : memref<512xi32, #tpu.memory_space<hbm>>) target(%dma_start3A_77 : memref<512xi32, #tpu.memory_space<vmem>>) target_semaphore(%arg8 : memref<!tpu.dma_semaphore, #tpu.memory_space<semaphore_mem>>)
    %dma_wait3A = arith.constant 0 : i32
    %dma_wait3A_79 = arith.constant 0 : i32
    %dma_wait3A_80 = tpu.memref_slice %arg5[%dma_wait3A, %dma_wait3A_79] : memref<2x1024xi32, #tpu.memory_space<vmem>> -> memref<1x512xi32, #tpu.memory_space<vmem>>
    %dma_wait3A_81 = tpu.memref_squeeze %dma_wait3A_80 : memref<1x512xi32, #tpu.memory_space<vmem>> -> memref<512xi32, #tpu.memory_space<vmem>>
    %dma_wait3A_82 = tpu.memref_slice %arg2[%mul3A_2] : memref<819200xi32, #tpu.memory_space<hbm>> -> memref<512xi32, #tpu.memory_space<hbm>>
    %dma_wait3A_83 = arith.constant 0 : i32
    %dma_wait3A_84 = tpu.memref_slice %arg5[%dma_wait3A, %dma_wait3A_83] : memref<2x1024xi32, #tpu.memory_space<vmem>> -> memref<1x512xi32, #tpu.memory_space<vmem>>
    %dma_wait3A_85 = tpu.memref_squeeze %dma_wait3A_84 : memref<1x512xi32, #tpu.memory_space<vmem>> -> memref<512xi32, #tpu.memory_space<vmem>>
    %dma_wait3A_86 = tpu.memref_slice %arg2[%mul3A_2] : memref<819200xi32, #tpu.memory_space<hbm>> -> memref<512xi32, #tpu.memory_space<hbm>>
    tpu.wait_dma2 semaphore(%arg8 : memref<!tpu.dma_semaphore, #tpu.memory_space<semaphore_mem>>) src(%dma_wait3A_86 : memref<512xi32, #tpu.memory_space<hbm>>) dst(%dma_wait3A_85 : memref<512xi32, #tpu.memory_space<vmem>>)
    %dma_wait3A_87 = arith.constant 0 : i32
    %dma_wait3A_88 = arith.constant 0 : i32
    %dma_wait3A_89 = tpu.memref_slice %arg5[%dma_wait3A_87, %dma_wait3A_88] : memref<2x1024xi32, #tpu.memory_space<vmem>> -> memref<1x512xi32, #tpu.memory_space<vmem>>
    %dma_wait3A_90 = tpu.memref_squeeze %dma_wait3A_89 : memref<1x512xi32, #tpu.memory_space<vmem>> -> memref<512xi32, #tpu.memory_space<vmem>>
    %dma_wait3A_91 = tpu.memref_slice %arg2[%mul3A_2] : memref<819200xi32, #tpu.memory_space<hbm>> -> memref<512xi32, #tpu.memory_space<hbm>>
    %dma_wait3A_92 = arith.constant 0 : i32
    %dma_wait3A_93 = tpu.memref_slice %arg5[%dma_wait3A_87, %dma_wait3A_92] : memref<2x1024xi32, #tpu.memory_space<vmem>> -> memref<1x512xi32, #tpu.memory_space<vmem>>
    %dma_wait3A_94 = tpu.memref_squeeze %dma_wait3A_93 : memref<1x512xi32, #tpu.memory_space<vmem>> -> memref<512xi32, #tpu.memory_space<vmem>>
    %dma_wait3A_95 = tpu.memref_slice %arg2[%mul3A_2] : memref<819200xi32, #tpu.memory_space<hbm>> -> memref<512xi32, #tpu.memory_space<hbm>>
    tpu.wait_dma2 semaphore(%arg8 : memref<!tpu.dma_semaphore, #tpu.memory_space<semaphore_mem>>) src(%dma_wait3A_95 : memref<512xi32, #tpu.memory_space<hbm>>) dst(%dma_wait3A_94 : memref<512xi32, #tpu.memory_space<vmem>>)
    %dma_start3A_96 = arith.constant 0 : i32
    %dma_start3A_97 = arith.constant 0 : i32
    %dma_start3A_98 = arith.constant 0 : i32
    %dma_start3A_99 = arith.constant 0 : i32
    %dma_start3A_100 = tpu.memref_slice %arg6[%dma_start3A_97, %dma_start3A_98, %dma_start3A_99] : memref<2x1024x32xf32, #tpu.memory_space<vmem>> -> memref<1x1024x32xf32, #tpu.memory_space<vmem>>
    %dma_start3A_101 = tpu.memref_squeeze %dma_start3A_100 : memref<1x1024x32xf32, #tpu.memory_space<vmem>> -> memref<1024x32xf32, #tpu.memory_space<vmem>>
    %dma_start3A_102 = arith.constant 0 : i32
    %dma_start3A_103 = tpu.memref_slice %arg5[%dma_start3A_96, %dma_start3A_102] : memref<2x1024xi32, #tpu.memory_space<vmem>> -> memref<1x1024xi32, #tpu.memory_space<vmem>>
    %dma_start3A_104 = tpu.memref_squeeze %dma_start3A_103 : memref<1x1024xi32, #tpu.memory_space<vmem>> -> memref<1024xi32, #tpu.memory_space<vmem>>
    %dma_start3A_105 = arith.constant 0 : i32
    %dma_start3A_106 = arith.constant 0 : i32
    %dma_start3A_107 = tpu.memref_slice %arg3[%dma_start3A_105, %dma_start3A_106] : memref<1000000x32xf32, #tpu.memory_space<hbm>> -> memref<1000000x32xf32, #tpu.memory_space<hbm>>
    tpu.enqueue_indirect_dma source(%dma_start3A_107 : memref<1000000x32xf32, #tpu.memory_space<hbm>>) target(%dma_start3A_101 : memref<1024x32xf32, #tpu.memory_space<vmem>>) offsets(%dma_start3A_104 : memref<1024xi32, #tpu.memory_space<vmem>>) semaphore(%arg9 : memref<!tpu.dma_semaphore, #tpu.memory_space<semaphore_mem>>)
    %add3A_108 = arith.constant 32768 : i32
    %add3A_109 = arith.addi %add3A_108, %mul3A_2 : i32
    %dma_start3A_110 = arith.constant 1 : i32
    %dma_start3A_111 = arith.constant 0 : i32
    %dma_start3A_112 = tpu.memref_slice %arg5[%dma_start3A_110, %dma_start3A_111] : memref<2x1024xi32, #tpu.memory_space<vmem>> -> memref<1x512xi32, #tpu.memory_space<vmem>>
    %dma_start3A_113 = tpu.memref_squeeze %dma_start3A_112 : memref<1x512xi32, #tpu.memory_space<vmem>> -> memref<512xi32, #tpu.memory_space<vmem>>
    %dma_start3A_114 = tpu.memref_slice %arg2[%add3A_109] : memref<819200xi32, #tpu.memory_space<hbm>> -> memref<512xi32, #tpu.memory_space<hbm>>
    %dma_start3A_115 = arith.constant 0 : i32
    %dma_start3A_116 = tpu.memref_slice %arg5[%dma_start3A_110, %dma_start3A_115] : memref<2x1024xi32, #tpu.memory_space<vmem>> -> memref<1x512xi32, #tpu.memory_space<vmem>>
    %dma_start3A_117 = tpu.memref_squeeze %dma_start3A_116 : memref<1x512xi32, #tpu.memory_space<vmem>> -> memref<512xi32, #tpu.memory_space<vmem>>
    %dma_start3A_118 = tpu.memref_slice %arg2[%add3A_109] : memref<819200xi32, #tpu.memory_space<hbm>> -> memref<512xi32, #tpu.memory_space<hbm>>
    tpu.enqueue_dma source(%dma_start3A_118 : memref<512xi32, #tpu.memory_space<hbm>>) target(%dma_start3A_117 : memref<512xi32, #tpu.memory_space<vmem>>) target_semaphore(%arg8 : memref<!tpu.dma_semaphore, #tpu.memory_space<semaphore_mem>>)
    %add3A_119 = arith.constant 49152 : i32
    %add3A_120 = arith.addi %add3A_119, %mul3A_2 : i32
    %dma_start3A_121 = arith.constant 1 : i32
    %dma_start3A_122 = arith.constant 512 : i32
    %dma_start3A_123 = tpu.memref_slice %arg5[%dma_start3A_121, %dma_start3A_122] : memref<2x1024xi32, #tpu.memory_space<vmem>> -> memref<1x512xi32, #tpu.memory_space<vmem>>
    %dma_start3A_124 = tpu.memref_squeeze %dma_start3A_123 : memref<1x512xi32, #tpu.memory_space<vmem>> -> memref<512xi32, #tpu.memory_space<vmem>>
    %dma_start3A_125 = tpu.memref_slice %arg2[%add3A_120] : memref<819200xi32, #tpu.memory_space<hbm>> -> memref<512xi32, #tpu.memory_space<hbm>>
    %dma_start3A_126 = arith.constant 512 : i32
    %dma_start3A_127 = tpu.memref_slice %arg5[%dma_start3A_121, %dma_start3A_126] : memref<2x1024xi32, #tpu.memory_space<vmem>> -> memref<1x512xi32, #tpu.memory_space<vmem>>
    %dma_start3A_128 = tpu.memref_squeeze %dma_start3A_127 : memref<1x512xi32, #tpu.memory_space<vmem>> -> memref<512xi32, #tpu.memory_space<vmem>>
    %dma_start3A_129 = tpu.memref_slice %arg2[%add3A_120] : memref<819200xi32, #tpu.memory_space<hbm>> -> memref<512xi32, #tpu.memory_space<hbm>>
    tpu.enqueue_dma source(%dma_start3A_129 : memref<512xi32, #tpu.memory_space<hbm>>) target(%dma_start3A_128 : memref<512xi32, #tpu.memory_space<vmem>>) target_semaphore(%arg8 : memref<!tpu.dma_semaphore, #tpu.memory_space<semaphore_mem>>)
    %scan3A = arith.constant 0 : i32
    %scan3A_130 = arith.constant 0 : i32
    %scan3A_131 = arith.constant 25 : i32
    %scan3A_132 = arith.addi %scan3A_130, %scan3A_131 : i32
    %scan3A_133 = arith.constant 1 : i32
    scf.for %scan3A_199 = %scan3A_130 to %scan3A_132 step %scan3A_133  : i32 {
      %rem3A_200 = arith.constant 2 : i32
      %rem3A_201 = arith.remsi %scan3A_199, %rem3A_200 : i32
      %add3A_202 = arith.constant 1 : i32
      %add3A_203 = arith.addi %scan3A_199, %add3A_202 : i32
      %lt3A_204 = arith.constant 25 : i32
      %lt3A_205 = arith.cmpi slt, %add3A_203, %lt3A_204 : i32
      %convert_element_type3A = arith.extui %lt3A_205 : i1 to i32
      %cond3A = arith.constant 0 : i32
      %cond3A_206 = arith.cmpi ne, %convert_element_type3A, %cond3A : i32
      scf.if %cond3A_206 {
        %sub3A_405 = arith.constant 1 : i32
        %sub3A_406 = arith.subi %sub3A_405, %rem3A_201 : i32
        %dma_wait3A_407 = arith.constant 0 : i32
        %dma_wait3A_408 = tpu.memref_slice %arg5[%sub3A_406, %dma_wait3A_407] : memref<2x1024xi32, #tpu.memory_space<vmem>> -> memref<1x512xi32, #tpu.memory_space<vmem>>
        %dma_wait3A_409 = tpu.memref_squeeze %dma_wait3A_408 : memref<1x512xi32, #tpu.memory_space<vmem>> -> memref<512xi32, #tpu.memory_space<vmem>>
        %dma_wait3A_410 = tpu.memref_slice %arg2[%mul3A_2] : memref<819200xi32, #tpu.memory_space<hbm>> -> memref<512xi32, #tpu.memory_space<hbm>>
        %dma_wait3A_411 = arith.constant 0 : i32
        %dma_wait3A_412 = tpu.memref_slice %arg5[%sub3A_406, %dma_wait3A_411] : memref<2x1024xi32, #tpu.memory_space<vmem>> -> memref<1x512xi32, #tpu.memory_space<vmem>>
        %dma_wait3A_413 = tpu.memref_squeeze %dma_wait3A_412 : memref<1x512xi32, #tpu.memory_space<vmem>> -> memref<512xi32, #tpu.memory_space<vmem>>
        %dma_wait3A_414 = tpu.memref_slice %arg2[%mul3A_2] : memref<819200xi32, #tpu.memory_space<hbm>> -> memref<512xi32, #tpu.memory_space<hbm>>
        tpu.wait_dma2 semaphore(%arg8 : memref<!tpu.dma_semaphore, #tpu.memory_space<semaphore_mem>>) src(%dma_wait3A_414 : memref<512xi32, #tpu.memory_space<hbm>>) dst(%dma_wait3A_413 : memref<512xi32, #tpu.memory_space<vmem>>)
        %dma_wait3A_415 = arith.constant 0 : i32
        %dma_wait3A_416 = tpu.memref_slice %arg5[%sub3A_406, %dma_wait3A_415] : memref<2x1024xi32, #tpu.memory_space<vmem>> -> memref<1x512xi32, #tpu.memory_space<vmem>>
        %dma_wait3A_417 = tpu.memref_squeeze %dma_wait3A_416 : memref<1x512xi32, #tpu.memory_space<vmem>> -> memref<512xi32, #tpu.memory_space<vmem>>
        %dma_wait3A_418 = tpu.memref_slice %arg2[%mul3A_2] : memref<819200xi32, #tpu.memory_space<hbm>> -> memref<512xi32, #tpu.memory_space<hbm>>
        %dma_wait3A_419 = arith.constant 0 : i32
        %dma_wait3A_420 = tpu.memref_slice %arg5[%sub3A_406, %dma_wait3A_419] : memref<2x1024xi32, #tpu.memory_space<vmem>> -> memref<1x512xi32, #tpu.memory_space<vmem>>
        %dma_wait3A_421 = tpu.memref_squeeze %dma_wait3A_420 : memref<1x512xi32, #tpu.memory_space<vmem>> -> memref<512xi32, #tpu.memory_space<vmem>>
        %dma_wait3A_422 = tpu.memref_slice %arg2[%mul3A_2] : memref<819200xi32, #tpu.memory_space<hbm>> -> memref<512xi32, #tpu.memory_space<hbm>>
        tpu.wait_dma2 semaphore(%arg8 : memref<!tpu.dma_semaphore, #tpu.memory_space<semaphore_mem>>) src(%dma_wait3A_422 : memref<512xi32, #tpu.memory_space<hbm>>) dst(%dma_wait3A_421 : memref<512xi32, #tpu.memory_space<vmem>>)
      } else {
      }
      %dma_wait3A_207 = arith.constant 0 : i32
      %dma_wait3A_208 = arith.constant 0 : i32
      %dma_wait3A_209 = tpu.memref_slice %arg6[%rem3A_201, %dma_wait3A_207, %dma_wait3A_208] : memref<2x1024x32xf32, #tpu.memory_space<vmem>> -> memref<1x1024x32xf32, #tpu.memory_space<vmem>>
      %dma_wait3A_210 = tpu.memref_squeeze %dma_wait3A_209 : memref<1x1024x32xf32, #tpu.memory_space<vmem>> -> memref<1024x32xf32, #tpu.memory_space<vmem>>
      %dma_wait3A_211 = arith.constant 0 : i32
      %dma_wait3A_212 = tpu.memref_slice %arg5[%rem3A_201, %dma_wait3A_211] : memref<2x1024xi32, #tpu.memory_space<vmem>> -> memref<1x1024xi32, #tpu.memory_space<vmem>>
      %dma_wait3A_213 = tpu.memref_squeeze %dma_wait3A_212 : memref<1x1024xi32, #tpu.memory_space<vmem>> -> memref<1024xi32, #tpu.memory_space<vmem>>
      %dma_wait3A_214 = arith.constant 0 : i32
      %dma_wait3A_215 = arith.constant 0 : i32
      %dma_wait3A_216 = tpu.memref_slice %arg3[%dma_wait3A_214, %dma_wait3A_215] : memref<1000000x32xf32, #tpu.memory_space<hbm>> -> memref<1000000x32xf32, #tpu.memory_space<hbm>>
      tpu.wait_indirect_dma semaphore(%arg9 : memref<!tpu.dma_semaphore, #tpu.memory_space<semaphore_mem>>) src(%dma_wait3A_216 : memref<1000000x32xf32, #tpu.memory_space<hbm>>) dst(%dma_wait3A_210 : memref<1024x32xf32, #tpu.memory_space<vmem>>)
      %add3A_217 = arith.constant 1 : i32
      %add3A_218 = arith.addi %scan3A_199, %add3A_217 : i32
      %lt3A_219 = arith.constant 25 : i32
      %lt3A_220 = arith.cmpi slt, %add3A_218, %lt3A_219 : i32
      %convert_element_type3A_221 = arith.extui %lt3A_220 : i1 to i32
      %cond3A_222 = arith.constant 0 : i32
      %cond3A_223 = arith.cmpi ne, %convert_element_type3A_221, %cond3A_222 : i32
      scf.if %cond3A_223 {
        %sub3A_405 = arith.constant 1 : i32
        %sub3A_406 = arith.subi %sub3A_405, %rem3A_201 : i32
        %dma_start3A_407 = arith.constant 0 : i32
        %dma_start3A_408 = arith.constant 0 : i32
        %dma_start3A_409 = tpu.memref_slice %arg6[%sub3A_406, %dma_start3A_407, %dma_start3A_408] : memref<2x1024x32xf32, #tpu.memory_space<vmem>> -> memref<1x1024x32xf32, #tpu.memory_space<vmem>>
        %dma_start3A_410 = tpu.memref_squeeze %dma_start3A_409 : memref<1x1024x32xf32, #tpu.memory_space<vmem>> -> memref<1024x32xf32, #tpu.memory_space<vmem>>
        %dma_start3A_411 = arith.constant 0 : i32
        %dma_start3A_412 = tpu.memref_slice %arg5[%sub3A_406, %dma_start3A_411] : memref<2x1024xi32, #tpu.memory_space<vmem>> -> memref<1x1024xi32, #tpu.memory_space<vmem>>
        %dma_start3A_413 = tpu.memref_squeeze %dma_start3A_412 : memref<1x1024xi32, #tpu.memory_space<vmem>> -> memref<1024xi32, #tpu.memory_space<vmem>>
        %dma_start3A_414 = arith.constant 0 : i32
        %dma_start3A_415 = arith.constant 0 : i32
        %dma_start3A_416 = tpu.memref_slice %arg3[%dma_start3A_414, %dma_start3A_415] : memref<1000000x32xf32, #tpu.memory_space<hbm>> -> memref<1000000x32xf32, #tpu.memory_space<hbm>>
        tpu.enqueue_indirect_dma source(%dma_start3A_416 : memref<1000000x32xf32, #tpu.memory_space<hbm>>) target(%dma_start3A_410 : memref<1024x32xf32, #tpu.memory_space<vmem>>) offsets(%dma_start3A_413 : memref<1024xi32, #tpu.memory_space<vmem>>) semaphore(%arg9 : memref<!tpu.dma_semaphore, #tpu.memory_space<semaphore_mem>>)
      } else {
      }
      %add3A_224 = arith.constant 2 : i32
      %add3A_225 = arith.addi %scan3A_199, %add3A_224 : i32
      %lt3A_226 = arith.constant 25 : i32
      %lt3A_227 = arith.cmpi slt, %add3A_225, %lt3A_226 : i32
      %convert_element_type3A_228 = arith.extui %lt3A_227 : i1 to i32
      %cond3A_229 = arith.constant 0 : i32
      %cond3A_230 = arith.cmpi ne, %convert_element_type3A_228, %cond3A_229 : i32
      scf.if %cond3A_230 {
        %add3A_405 = arith.constant 2 : i32
        %add3A_406 = arith.addi %scan3A_199, %add3A_405 : i32
        %mul3A_407 = arith.constant 2 : i32
        %mul3A_408 = arith.muli %add3A_406, %mul3A_407 : i32
        %add3A_409 = arith.constant 0 : i32
        %add3A_410 = arith.addi %mul3A_408, %add3A_409 : i32
        %mul3A_411 = arith.constant 16384 : i32
        %mul3A_412 = arith.muli %add3A_410, %mul3A_411 : i32
        %add3A_413 = arith.addi %mul3A_412, %mul3A_2 : i32
        %dma_start3A_414 = arith.constant 0 : i32
        %dma_start3A_415 = tpu.memref_slice %arg5[%rem3A_201, %dma_start3A_414] : memref<2x1024xi32, #tpu.memory_space<vmem>> -> memref<1x512xi32, #tpu.memory_space<vmem>>
        %dma_start3A_416 = tpu.memref_squeeze %dma_start3A_415 : memref<1x512xi32, #tpu.memory_space<vmem>> -> memref<512xi32, #tpu.memory_space<vmem>>
        %dma_start3A_417 = tpu.memref_slice %arg2[%add3A_413] : memref<819200xi32, #tpu.memory_space<hbm>> -> memref<512xi32, #tpu.memory_space<hbm>>
        %dma_start3A_418 = arith.constant 0 : i32
        %dma_start3A_419 = tpu.memref_slice %arg5[%rem3A_201, %dma_start3A_418] : memref<2x1024xi32, #tpu.memory_space<vmem>> -> memref<1x512xi32, #tpu.memory_space<vmem>>
        %dma_start3A_420 = tpu.memref_squeeze %dma_start3A_419 : memref<1x512xi32, #tpu.memory_space<vmem>> -> memref<512xi32, #tpu.memory_space<vmem>>
        %dma_start3A_421 = tpu.memref_slice %arg2[%add3A_413] : memref<819200xi32, #tpu.memory_space<hbm>> -> memref<512xi32, #tpu.memory_space<hbm>>
        tpu.enqueue_dma source(%dma_start3A_421 : memref<512xi32, #tpu.memory_space<hbm>>) target(%dma_start3A_420 : memref<512xi32, #tpu.memory_space<vmem>>) target_semaphore(%arg8 : memref<!tpu.dma_semaphore, #tpu.memory_space<semaphore_mem>>)
        %mul3A_422 = arith.constant 2 : i32
        %mul3A_423 = arith.muli %add3A_406, %mul3A_422 : i32
        %add3A_424 = arith.constant 1 : i32
        %add3A_425 = arith.addi %mul3A_423, %add3A_424 : i32
        %mul3A_426 = arith.constant 16384 : i32
        %mul3A_427 = arith.muli %add3A_425, %mul3A_426 : i32
        %add3A_428 = arith.addi %mul3A_427, %mul3A_2 : i32
        %dma_start3A_429 = arith.constant 512 : i32
        %dma_start3A_430 = tpu.memref_slice %arg5[%rem3A_201, %dma_start3A_429] : memref<2x1024xi32, #tpu.memory_space<vmem>> -> memref<1x512xi32, #tpu.memory_space<vmem>>
        %dma_start3A_431 = tpu.memref_squeeze %dma_start3A_430 : memref<1x512xi32, #tpu.memory_space<vmem>> -> memref<512xi32, #tpu.memory_space<vmem>>
        %dma_start3A_432 = tpu.memref_slice %arg2[%add3A_428] : memref<819200xi32, #tpu.memory_space<hbm>> -> memref<512xi32, #tpu.memory_space<hbm>>
        %dma_start3A_433 = arith.constant 512 : i32
        %dma_start3A_434 = tpu.memref_slice %arg5[%rem3A_201, %dma_start3A_433] : memref<2x1024xi32, #tpu.memory_space<vmem>> -> memref<1x512xi32, #tpu.memory_space<vmem>>
        %dma_start3A_435 = tpu.memref_squeeze %dma_start3A_434 : memref<1x512xi32, #tpu.memory_space<vmem>> -> memref<512xi32, #tpu.memory_space<vmem>>
        %dma_start3A_436 = tpu.memref_slice %arg2[%add3A_428] : memref<819200xi32, #tpu.memory_space<hbm>> -> memref<512xi32, #tpu.memory_space<hbm>>
        tpu.enqueue_dma source(%dma_start3A_436 : memref<512xi32, #tpu.memory_space<hbm>>) target(%dma_start3A_435 : memref<512xi32, #tpu.memory_space<vmem>>) target_semaphore(%arg8 : memref<!tpu.dma_semaphore, #tpu.memory_space<semaphore_mem>>)
      } else {
      }
      %ge3A = arith.constant 1 : i32
      %ge3A_231 = arith.cmpi sge, %scan3A_199, %ge3A : i32
      %convert_element_type3A_232 = arith.extui %ge3A_231 : i1 to i32
      %cond3A_233 = arith.constant 0 : i32
      %cond3A_234 = arith.cmpi ne, %convert_element_type3A_232, %cond3A_233 : i32
      scf.if %cond3A_234 {
        %dma_wait3A_405 = arith.constant 0 : i32
        %dma_wait3A_406 = tpu.memref_slice %arg7[%dma_wait3A_405] : memref<32768xf32, #tpu.memory_space<vmem>> -> memref<4096xf32, #tpu.memory_space<vmem>>
        %dma_wait3A_407 = arith.constant 0 : i32
        %dma_wait3A_408 = tpu.memref_slice %arg4[%dma_wait3A_407] : memref<26214400xf32, #tpu.memory_space<hbm>> -> memref<4096xf32, #tpu.memory_space<hbm>>
        %dma_wait3A_409 = arith.constant 0 : i32
        %dma_wait3A_410 = tpu.memref_slice %arg4[%dma_wait3A_409] : memref<26214400xf32, #tpu.memory_space<hbm>> -> memref<4096xf32, #tpu.memory_space<hbm>>
        %dma_wait3A_411 = arith.constant 0 : i32
        %dma_wait3A_412 = tpu.memref_slice %arg7[%dma_wait3A_411] : memref<32768xf32, #tpu.memory_space<vmem>> -> memref<4096xf32, #tpu.memory_space<vmem>>
        tpu.wait_dma2 semaphore(%arg10 : memref<!tpu.dma_semaphore, #tpu.memory_space<semaphore_mem>>) src(%dma_wait3A_412 : memref<4096xf32, #tpu.memory_space<vmem>>) dst(%dma_wait3A_410 : memref<4096xf32, #tpu.memory_space<hbm>>)
        %dma_wait3A_413 = arith.constant 0 : i32
        %dma_wait3A_414 = tpu.memref_slice %arg7[%dma_wait3A_413] : memref<32768xf32, #tpu.memory_space<vmem>> -> memref<4096xf32, #tpu.memory_space<vmem>>
        %dma_wait3A_415 = arith.constant 0 : i32
        %dma_wait3A_416 = tpu.memref_slice %arg4[%dma_wait3A_415] : memref<26214400xf32, #tpu.memory_space<hbm>> -> memref<4096xf32, #tpu.memory_space<hbm>>
        %dma_wait3A_417 = arith.constant 0 : i32
        %dma_wait3A_418 = tpu.memref_slice %arg4[%dma_wait3A_417] : memref<26214400xf32, #tpu.memory_space<hbm>> -> memref<4096xf32, #tpu.memory_space<hbm>>
        %dma_wait3A_419 = arith.constant 0 : i32
        %dma_wait3A_420 = tpu.memref_slice %arg7[%dma_wait3A_419] : memref<32768xf32, #tpu.memory_space<vmem>> -> memref<4096xf32, #tpu.memory_space<vmem>>
        tpu.wait_dma2 semaphore(%arg10 : memref<!tpu.dma_semaphore, #tpu.memory_space<semaphore_mem>>) src(%dma_wait3A_420 : memref<4096xf32, #tpu.memory_space<vmem>>) dst(%dma_wait3A_418 : memref<4096xf32, #tpu.memory_space<hbm>>)
        %dma_wait3A_421 = arith.constant 0 : i32
        %dma_wait3A_422 = tpu.memref_slice %arg7[%dma_wait3A_421] : memref<32768xf32, #tpu.memory_space<vmem>> -> memref<4096xf32, #tpu.memory_space<vmem>>
        %dma_wait3A_423 = arith.constant 0 : i32
        %dma_wait3A_424 = tpu.memref_slice %arg4[%dma_wait3A_423] : memref<26214400xf32, #tpu.memory_space<hbm>> -> memref<4096xf32, #tpu.memory_space<hbm>>
        %dma_wait3A_425 = arith.constant 0 : i32
        %dma_wait3A_426 = tpu.memref_slice %arg4[%dma_wait3A_425] : memref<26214400xf32, #tpu.memory_space<hbm>> -> memref<4096xf32, #tpu.memory_space<hbm>>
        %dma_wait3A_427 = arith.constant 0 : i32
        %dma_wait3A_428 = tpu.memref_slice %arg7[%dma_wait3A_427] : memref<32768xf32, #tpu.memory_space<vmem>> -> memref<4096xf32, #tpu.memory_space<vmem>>
        tpu.wait_dma2 semaphore(%arg10 : memref<!tpu.dma_semaphore, #tpu.memory_space<semaphore_mem>>) src(%dma_wait3A_428 : memref<4096xf32, #tpu.memory_space<vmem>>) dst(%dma_wait3A_426 : memref<4096xf32, #tpu.memory_space<hbm>>)
        %dma_wait3A_429 = arith.constant 0 : i32
        %dma_wait3A_430 = tpu.memref_slice %arg7[%dma_wait3A_429] : memref<32768xf32, #tpu.memory_space<vmem>> -> memref<4096xf32, #tpu.memory_space<vmem>>
        %dma_wait3A_431 = arith.constant 0 : i32
        %dma_wait3A_432 = tpu.memref_slice %arg4[%dma_wait3A_431] : memref<26214400xf32, #tpu.memory_space<hbm>> -> memref<4096xf32, #tpu.memory_space<hbm>>
        %dma_wait3A_433 = arith.constant 0 : i32
        %dma_wait3A_434 = tpu.memref_slice %arg4[%dma_wait3A_433] : memref<26214400xf32, #tpu.memory_space<hbm>> -> memref<4096xf32, #tpu.memory_space<hbm>>
        %dma_wait3A_435 = arith.constant 0 : i32
        %dma_wait3A_436 = tpu.memref_slice %arg7[%dma_wait3A_435] : memref<32768xf32, #tpu.memory_space<vmem>> -> memref<4096xf32, #tpu.memory_space<vmem>>
        tpu.wait_dma2 semaphore(%arg10 : memref<!tpu.dma_semaphore, #tpu.memory_space<semaphore_mem>>) src(%dma_wait3A_436 : memref<4096xf32, #tpu.memory_space<vmem>>) dst(%dma_wait3A_434 : memref<4096xf32, #tpu.memory_space<hbm>>)
        %dma_wait3A_437 = arith.constant 0 : i32
        %dma_wait3A_438 = tpu.memref_slice %arg7[%dma_wait3A_437] : memref<32768xf32, #tpu.memory_space<vmem>> -> memref<4096xf32, #tpu.memory_space<vmem>>
        %dma_wait3A_439 = arith.constant 0 : i32
        %dma_wait3A_440 = tpu.memref_slice %arg4[%dma_wait3A_439] : memref<26214400xf32, #tpu.memory_space<hbm>> -> memref<4096xf32, #tpu.memory_space<hbm>>
        %dma_wait3A_441 = arith.constant 0 : i32
        %dma_wait3A_442 = tpu.memref_slice %arg4[%dma_wait3A_441] : memref<26214400xf32, #tpu.memory_space<hbm>> -> memref<4096xf32, #tpu.memory_space<hbm>>
        %dma_wait3A_443 = arith.constant 0 : i32
        %dma_wait3A_444 = tpu.memref_slice %arg7[%dma_wait3A_443] : memref<32768xf32, #tpu.memory_space<vmem>> -> memref<4096xf32, #tpu.memory_space<vmem>>
        tpu.wait_dma2 semaphore(%arg10 : memref<!tpu.dma_semaphore, #tpu.memory_space<semaphore_mem>>) src(%dma_wait3A_444 : memref<4096xf32, #tpu.memory_space<vmem>>) dst(%dma_wait3A_442 : memref<4096xf32, #tpu.memory_space<hbm>>)
        %dma_wait3A_445 = arith.constant 0 : i32
        %dma_wait3A_446 = tpu.memref_slice %arg7[%dma_wait3A_445] : memref<32768xf32, #tpu.memory_space<vmem>> -> memref<4096xf32, #tpu.memory_space<vmem>>
        %dma_wait3A_447 = arith.constant 0 : i32
        %dma_wait3A_448 = tpu.memref_slice %arg4[%dma_wait3A_447] : memref<26214400xf32, #tpu.memory_space<hbm>> -> memref<4096xf32, #tpu.memory_space<hbm>>
        %dma_wait3A_449 = arith.constant 0 : i32
        %dma_wait3A_450 = tpu.memref_slice %arg4[%dma_wait3A_449] : memref<26214400xf32, #tpu.memory_space<hbm>> -> memref<4096xf32, #tpu.memory_space<hbm>>
        %dma_wait3A_451 = arith.constant 0 : i32
        %dma_wait3A_452 = tpu.memref_slice %arg7[%dma_wait3A_451] : memref<32768xf32, #tpu.memory_space<vmem>> -> memref<4096xf32, #tpu.memory_space<vmem>>
        tpu.wait_dma2 semaphore(%arg10 : memref<!tpu.dma_semaphore, #tpu.memory_space<semaphore_mem>>) src(%dma_wait3A_452 : memref<4096xf32, #tpu.memory_space<vmem>>) dst(%dma_wait3A_450 : memref<4096xf32, #tpu.memory_space<hbm>>)
        %dma_wait3A_453 = arith.constant 0 : i32
        %dma_wait3A_454 = tpu.memref_slice %arg7[%dma_wait3A_453] : memref<32768xf32, #tpu.memory_space<vmem>> -> memref<4096xf32, #tpu.memory_space<vmem>>
        %dma_wait3A_455 = arith.constant 0 : i32
        %dma_wait3A_456 = tpu.memref_slice %arg4[%dma_wait3A_455] : memref<26214400xf32, #tpu.memory_space<hbm>> -> memref<4096xf32, #tpu.memory_space<hbm>>
        %dma_wait3A_457 = arith.constant 0 : i32
        %dma_wait3A_458 = tpu.memref_slice %arg4[%dma_wait3A_457] : memref<26214400xf32, #tpu.memory_space<hbm>> -> memref<4096xf32, #tpu.memory_space<hbm>>
        %dma_wait3A_459 = arith.constant 0 : i32
        %dma_wait3A_460 = tpu.memref_slice %arg7[%dma_wait3A_459] : memref<32768xf32, #tpu.memory_space<vmem>> -> memref<4096xf32, #tpu.memory_space<vmem>>
        tpu.wait_dma2 semaphore(%arg10 : memref<!tpu.dma_semaphore, #tpu.memory_space<semaphore_mem>>) src(%dma_wait3A_460 : memref<4096xf32, #tpu.memory_space<vmem>>) dst(%dma_wait3A_458 : memref<4096xf32, #tpu.memory_space<hbm>>)
        %dma_wait3A_461 = arith.constant 0 : i32
        %dma_wait3A_462 = tpu.memref_slice %arg7[%dma_wait3A_461] : memref<32768xf32, #tpu.memory_space<vmem>> -> memref<4096xf32, #tpu.memory_space<vmem>>
        %dma_wait3A_463 = arith.constant 0 : i32
        %dma_wait3A_464 = tpu.memref_slice %arg4[%dma_wait3A_463] : memref<26214400xf32, #tpu.memory_space<hbm>> -> memref<4096xf32, #tpu.memory_space<hbm>>
        %dma_wait3A_465 = arith.constant 0 : i32
        %dma_wait3A_466 = tpu.memref_slice %arg4[%dma_wait3A_465] : memref<26214400xf32, #tpu.memory_space<hbm>> -> memref<4096xf32, #tpu.memory_space<hbm>>
        %dma_wait3A_467 = arith.constant 0 : i32
        %dma_wait3A_468 = tpu.memref_slice %arg7[%dma_wait3A_467] : memref<32768xf32, #tpu.memory_space<vmem>> -> memref<4096xf32, #tpu.memory_space<vmem>>
        tpu.wait_dma2 semaphore(%arg10 : memref<!tpu.dma_semaphore, #tpu.memory_space<semaphore_mem>>) src(%dma_wait3A_468 : memref<4096xf32, #tpu.memory_space<vmem>>) dst(%dma_wait3A_466 : memref<4096xf32, #tpu.memory_space<hbm>>)
      } else {
      }
      %parallel_loop3A = arith.constant 0 : i32
      %parallel_loop3A_235 = arith.constant 1024 : i32
      %parallel_loop3A_236 = arith.constant 1 : i32
      scf.for %parallel_loop3A_405 = %parallel_loop3A to %parallel_loop3A_235 step %parallel_loop3A_236  : i32 {
        %parallel_loop3A_406 = arith.constant 512 : i32
        %parallel_loop3A_407 = arith.divsi %parallel_loop3A_405, %parallel_loop3A_406 : i32
        %parallel_loop3A_408 = arith.constant 0 : i32
        %parallel_loop3A_409 = arith.cmpi sgt, %parallel_loop3A_405, %parallel_loop3A_408 : i32
        %parallel_loop3A_410 = arith.extui %parallel_loop3A_409 : i1 to i32
        %parallel_loop3A_411 = arith.constant 0 : i32
        %parallel_loop3A_412 = arith.cmpi slt, %parallel_loop3A_405, %parallel_loop3A_411 : i32
        %parallel_loop3A_413 = arith.extui %parallel_loop3A_412 : i1 to i32
        %parallel_loop3A_414 = arith.subi %parallel_loop3A_410, %parallel_loop3A_413 : i32
        %parallel_loop3A_415 = arith.constant 0 : i32
        %parallel_loop3A_416 = arith.cmpi sgt, %parallel_loop3A_406, %parallel_loop3A_415 : i32
        %parallel_loop3A_417 = arith.extui %parallel_loop3A_416 : i1 to i32
        %parallel_loop3A_418 = arith.constant 0 : i32
        %parallel_loop3A_419 = arith.cmpi slt, %parallel_loop3A_406, %parallel_loop3A_418 : i32
        %parallel_loop3A_420 = arith.extui %parallel_loop3A_419 : i1 to i32
        %parallel_loop3A_421 = arith.subi %parallel_loop3A_417, %parallel_loop3A_420 : i32
        %parallel_loop3A_422 = arith.cmpi ne, %parallel_loop3A_414, %parallel_loop3A_421 : i32
        %parallel_loop3A_423 = arith.remsi %parallel_loop3A_405, %parallel_loop3A_406 : i32
        %parallel_loop3A_424 = arith.constant 0 : i32
        %parallel_loop3A_425 = arith.cmpi ne, %parallel_loop3A_423, %parallel_loop3A_424 : i32
        %parallel_loop3A_426 = arith.andi %parallel_loop3A_422, %parallel_loop3A_425 : i1
        %parallel_loop3A_427 = arith.constant 1 : i32
        %parallel_loop3A_428 = arith.subi %parallel_loop3A_407, %parallel_loop3A_427 : i32
        %parallel_loop3A_429 = arith.select %parallel_loop3A_426, %parallel_loop3A_428, %parallel_loop3A_407 : i32
        %parallel_loop3A_430 = arith.constant 512 : i32
        %parallel_loop3A_431 = arith.remsi %parallel_loop3A_405, %parallel_loop3A_430 : i32
        %parallel_loop3A_432 = arith.constant 16384 : i32
        %parallel_loop3A_433 = arith.muli %parallel_loop3A_429, %parallel_loop3A_432 : i32
        %parallel_loop3A_434 = arith.constant 128 : i32
        %parallel_loop3A_435 = arith.divsi %parallel_loop3A_431, %parallel_loop3A_434 : i32
        %parallel_loop3A_436 = arith.constant 0 : i32
        %parallel_loop3A_437 = arith.cmpi sgt, %parallel_loop3A_431, %parallel_loop3A_436 : i32
        %parallel_loop3A_438 = arith.extui %parallel_loop3A_437 : i1 to i32
        %parallel_loop3A_439 = arith.constant 0 : i32
        %parallel_loop3A_440 = arith.cmpi slt, %parallel_loop3A_431, %parallel_loop3A_439 : i32
        %parallel_loop3A_441 = arith.extui %parallel_loop3A_440 : i1 to i32
        %parallel_loop3A_442 = arith.subi %parallel_loop3A_438, %parallel_loop3A_441 : i32
        %parallel_loop3A_443 = arith.constant 0 : i32
        %parallel_loop3A_444 = arith.cmpi sgt, %parallel_loop3A_434, %parallel_loop3A_443 : i32
        %parallel_loop3A_445 = arith.extui %parallel_loop3A_444 : i1 to i32
        %parallel_loop3A_446 = arith.constant 0 : i32
        %parallel_loop3A_447 = arith.cmpi slt, %parallel_loop3A_434, %parallel_loop3A_446 : i32
        %parallel_loop3A_448 = arith.extui %parallel_loop3A_447 : i1 to i32
        %parallel_loop3A_449 = arith.subi %parallel_loop3A_445, %parallel_loop3A_448 : i32
        %parallel_loop3A_450 = arith.cmpi ne, %parallel_loop3A_442, %parallel_loop3A_449 : i32
        %parallel_loop3A_451 = arith.remsi %parallel_loop3A_431, %parallel_loop3A_434 : i32
        %parallel_loop3A_452 = arith.constant 0 : i32
        %parallel_loop3A_453 = arith.cmpi ne, %parallel_loop3A_451, %parallel_loop3A_452 : i32
        %parallel_loop3A_454 = arith.andi %parallel_loop3A_450, %parallel_loop3A_453 : i1
        %parallel_loop3A_455 = arith.constant 1 : i32
        %parallel_loop3A_456 = arith.subi %parallel_loop3A_435, %parallel_loop3A_455 : i32
        %parallel_loop3A_457 = arith.select %parallel_loop3A_454, %parallel_loop3A_456, %parallel_loop3A_435 : i32
        %parallel_loop3A_458 = arith.constant 1024 : i32
        %parallel_loop3A_459 = arith.muli %parallel_loop3A_457, %parallel_loop3A_458 : i32
        %parallel_loop3A_460 = arith.addi %parallel_loop3A_433, %parallel_loop3A_459 : i32
        %parallel_loop3A_461 = arith.constant 128 : i32
        %parallel_loop3A_462 = arith.remsi %parallel_loop3A_431, %parallel_loop3A_461 : i32
        %parallel_loop3A_463 = arith.addi %parallel_loop3A_460, %parallel_loop3A_462 : i32
        %parallel_loop3A_464 = vector.broadcast %parallel_loop3A_463 : i32 to vector<16xi32>
        %parallel_loop3A_465 = arith.addi %add3A_54, %parallel_loop3A_464 : vector<16xi32>
        %parallel_loop3A_466 = arith.constant 0 : i32
        %parallel_loop3A_467 = arith.constant 0 : i32
        %parallel_loop3A_468 = tpu.memref_slice %arg6[%rem3A_201, %parallel_loop3A_466, %parallel_loop3A_467] : memref<2x1024x32xf32, #tpu.memory_space<vmem>> -> memref<1x1024x32xf32, #tpu.memory_space<vmem>>
        %parallel_loop3A_469 = tpu.memref_squeeze %parallel_loop3A_468 : memref<1x1024x32xf32, #tpu.memory_space<vmem>> -> memref<1024x32xf32, #tpu.memory_space<vmem>>
        %parallel_loop3A_470 = arith.index_cast %parallel_loop3A_405 : i32 to index
        %parallel_loop3A_471 = arith.constant 0 : index
        %parallel_loop3A_472 = tpu.vector_load %parallel_loop3A_469[%parallel_loop3A_470, %parallel_loop3A_471] {strides = array<i32>} : memref<1024x32xf32, #tpu.memory_space<vmem>>, vector<16xf32>,
        tpu.vector_store_idx %arg7[%parallel_loop3A_465], %parallel_loop3A_472 : memref<32768xf32, #tpu.memory_space<vmem>>[vector<16xi32>], vector<16xf32>,
        %parallel_loop3A_473 = vector.broadcast %parallel_loop3A_463 : i32 to vector<16xi32>
        %parallel_loop3A_474 = arith.addi %add3A_57, %parallel_loop3A_473 : vector<16xi32>
        %parallel_loop3A_475 = arith.constant 0 : i32
        %parallel_loop3A_476 = arith.constant 0 : i32
        %parallel_loop3A_477 = tpu.memref_slice %arg6[%rem3A_201, %parallel_loop3A_475, %parallel_loop3A_476] : memref<2x1024x32xf32, #tpu.memory_space<vmem>> -> memref<1x1024x32xf32, #tpu.memory_space<vmem>>
        %parallel_loop3A_478 = tpu.memref_squeeze %parallel_loop3A_477 : memref<1x1024x32xf32, #tpu.memory_space<vmem>> -> memref<1024x32xf32, #tpu.memory_space<vmem>>
        %parallel_loop3A_479 = arith.index_cast %parallel_loop3A_405 : i32 to index
        %parallel_loop3A_480 = arith.constant 16 : index
        %parallel_loop3A_481 = tpu.vector_load %parallel_loop3A_478[%parallel_loop3A_479, %parallel_loop3A_480] {strides = array<i32>} : memref<1024x32xf32, #tpu.memory_space<vmem>>, vector<16xf32>,
        tpu.vector_store_idx %arg7[%parallel_loop3A_474], %parallel_loop3A_481 : memref<32768xf32, #tpu.memory_space<vmem>>[vector<16xi32>], vector<16xf32>,
      } {sc.loop_unroll_factor = 8 : i64, sc.parallel_access}
      %mul3A_237 = arith.constant 2 : i32
      %mul3A_238 = arith.muli %scan3A_199, %mul3A_237 : i32
      %add3A_239 = arith.constant 0 : i32
      %add3A_240 = arith.addi %mul3A_238, %add3A_239 : i32
      %mul3A_241 = arith.constant 4 : i32
      %mul3A_242 = arith.muli %add3A_240, %mul3A_241 : i32
      %add3A_243 = arith.constant 0 : i32
      %add3A_244 = arith.addi %mul3A_242, %add3A_243 : i32
      %mul3A_245 = arith.constant 128 : i32
      %mul3A_246 = arith.muli %add3A_244, %mul3A_245 : i32
      %add3A_247 = arith.addi %mul3A_246, %mul3A_4 : i32
      %mul3A_248 = arith.constant 8 : i32
      %mul3A_249 = arith.muli %add3A_247, %mul3A_248 : i32
      %mul3A_250 = arith.constant 128 : i32
      %mul3A_251 = arith.muli %mul3A_249, %mul3A_250 : i32
      %dma_start3A_252 = arith.constant 0 : i32
      %dma_start3A_253 = tpu.memref_slice %arg7[%dma_start3A_252] : memref<32768xf32, #tpu.memory_space<vmem>> -> memref<4096xf32, #tpu.memory_space<vmem>>
      %dma_start3A_254 = tpu.memref_slice %arg4[%mul3A_251] : memref<26214400xf32, #tpu.memory_space<hbm>> -> memref<4096xf32, #tpu.memory_space<hbm>>
      %dma_start3A_255 = tpu.memref_slice %arg4[%mul3A_251] : memref<26214400xf32, #tpu.memory_space<hbm>> -> memref<4096xf32, #tpu.memory_space<hbm>>
      %dma_start3A_256 = arith.constant 0 : i32
      %dma_start3A_257 = tpu.memref_slice %arg7[%dma_start3A_256] : memref<32768xf32, #tpu.memory_space<vmem>> -> memref<4096xf32, #tpu.memory_space<vmem>>
      tpu.enqueue_dma source(%dma_start3A_257 : memref<4096xf32, #tpu.memory_space<vmem>>) target(%dma_start3A_255 : memref<4096xf32, #tpu.memory_space<hbm>>) target_semaphore(%arg10 : memref<!tpu.dma_semaphore, #tpu.memory_space<semaphore_mem>>)
      %mul3A_258 = arith.constant 2 : i32
      %mul3A_259 = arith.muli %scan3A_199, %mul3A_258 : i32
      %add3A_260 = arith.constant 0 : i32
      %add3A_261 = arith.addi %mul3A_259, %add3A_260 : i32
      %mul3A_262 = arith.constant 4 : i32
      %mul3A_263 = arith.muli %add3A_261, %mul3A_262 : i32
      %add3A_264 = arith.constant 1 : i32
      %add3A_265 = arith.addi %mul3A_263, %add3A_264 : i32
      %mul3A_266 = arith.constant 128 : i32
      %mul3A_267 = arith.muli %add3A_265, %mul3A_266 : i32
      %add3A_268 = arith.addi %mul3A_267, %mul3A_4 : i32
      %mul3A_269 = arith.constant 8 : i32
      %mul3A_270 = arith.muli %add3A_268, %mul3A_269 : i32
      %mul3A_271 = arith.constant 128 : i32
      %mul3A_272 = arith.muli %mul3A_270, %mul3A_271 : i32
      %dma_start3A_273 = arith.constant 4096 : i32
      %dma_start3A_274 = tpu.memref_slice %arg7[%dma_start3A_273] : memref<32768xf32, #tpu.memory_space<vmem>> -> memref<4096xf32, #tpu.memory_space<vmem>>
      %dma_start3A_275 = tpu.memref_slice %arg4[%mul3A_272] : memref<26214400xf32, #tpu.memory_space<hbm>> -> memref<4096xf32, #tpu.memory_space<hbm>>
      %dma_start3A_276 = tpu.memref_slice %arg4[%mul3A_272] : memref<26214400xf32, #tpu.memory_space<hbm>> -> memref<4096xf32, #tpu.memory_space<hbm>>
      %dma_start3A_277 = arith.constant 4096 : i32
      %dma_start3A_278 = tpu.memref_slice %arg7[%dma_start3A_277] : memref<32768xf32, #tpu.memory_space<vmem>> -> memref<4096xf32, #tpu.memory_space<vmem>>
      tpu.enqueue_dma source(%dma_start3A_278 : memref<4096xf32, #tpu.memory_space<vmem>>) target(%dma_start3A_276 : memref<4096xf32, #tpu.memory_space<hbm>>) target_semaphore(%arg10 : memref<!tpu.dma_semaphore, #tpu.memory_space<semaphore_mem>>)
      %mul3A_279 = arith.constant 2 : i32
      %mul3A_280 = arith.muli %scan3A_199, %mul3A_279 : i32
      %add3A_281 = arith.constant 0 : i32
      %add3A_282 = arith.addi %mul3A_280, %add3A_281 : i32
      %mul3A_283 = arith.constant 4 : i32
      %mul3A_284 = arith.muli %add3A_282, %mul3A_283 : i32
      %add3A_285 = arith.constant 2 : i32
      %add3A_286 = arith.addi %mul3A_284, %add3A_285 : i32
      %mul3A_287 = arith.constant 128 : i32
      %mul3A_288 = arith.muli %add3A_286, %mul3A_287 : i32
      %add3A_289 = arith.addi %mul3A_288, %mul3A_4 : i32
      %mul3A_290 = arith.constant 8 : i32
      %mul3A_291 = arith.muli %add3A_289, %mul3A_290 : i32
      %mul3A_292 = arith.constant 128 : i32
      %mul3A_293 = arith.muli %mul3A_291, %mul3A_292 : i32
      %dma_start3A_294 = arith.constant 8192 : i32
      %dma_start3A_295 = tpu.memref_slice %arg7[%dma_start3A_294] : memref<32768xf32, #tpu.memory_space<vmem>> -> memref<4096xf32, #tpu.memory_space<vmem>>
      %dma_start3A_296 = tpu.memref_slice %arg4[%mul3A_293] : memref<26214400xf32, #tpu.memory_space<hbm>> -> memref<4096xf32, #tpu.memory_space<hbm>>
      %dma_start3A_297 = tpu.memref_slice %arg4[%mul3A_293] : memref<26214400xf32, #tpu.memory_space<hbm>> -> memref<4096xf32, #tpu.memory_space<hbm>>
      %dma_start3A_298 = arith.constant 8192 : i32
      %dma_start3A_299 = tpu.memref_slice %arg7[%dma_start3A_298] : memref<32768xf32, #tpu.memory_space<vmem>> -> memref<4096xf32, #tpu.memory_space<vmem>>
      tpu.enqueue_dma source(%dma_start3A_299 : memref<4096xf32, #tpu.memory_space<vmem>>) target(%dma_start3A_297 : memref<4096xf32, #tpu.memory_space<hbm>>) target_semaphore(%arg10 : memref<!tpu.dma_semaphore, #tpu.memory_space<semaphore_mem>>)
      %mul3A_300 = arith.constant 2 : i32
      %mul3A_301 = arith.muli %scan3A_199, %mul3A_300 : i32
      %add3A_302 = arith.constant 0 : i32
      %add3A_303 = arith.addi %mul3A_301, %add3A_302 : i32
      %mul3A_304 = arith.constant 4 : i32
      %mul3A_305 = arith.muli %add3A_303, %mul3A_304 : i32
      %add3A_306 = arith.constant 3 : i32
      %add3A_307 = arith.addi %mul3A_305, %add3A_306 : i32
      %mul3A_308 = arith.constant 128 : i32
      %mul3A_309 = arith.muli %add3A_307, %mul3A_308 : i32
      %add3A_310 = arith.addi %mul3A_309, %mul3A_4 : i32
      %mul3A_311 = arith.constant 8 : i32
      %mul3A_312 = arith.muli %add3A_310, %mul3A_311 : i32
      %mul3A_313 = arith.constant 128 : i32
      %mul3A_314 = arith.muli %mul3A_312, %mul3A_313 : i32
      %dma_start3A_315 = arith.constant 12288 : i32
      %dma_start3A_316 = tpu.memref_slice %arg7[%dma_start3A_315] : memref<32768xf32, #tpu.memory_space<vmem>> -> memref<4096xf32, #tpu.memory_space<vmem>>
      %dma_start3A_317 = tpu.memref_slice %arg4[%mul3A_314] : memref<26214400xf32, #tpu.memory_space<hbm>> -> memref<4096xf32, #tpu.memory_space<hbm>>
      %dma_start3A_318 = tpu.memref_slice %arg4[%mul3A_314] : memref<26214400xf32, #tpu.memory_space<hbm>> -> memref<4096xf32, #tpu.memory_space<hbm>>
      %dma_start3A_319 = arith.constant 12288 : i32
      %dma_start3A_320 = tpu.memref_slice %arg7[%dma_start3A_319] : memref<32768xf32, #tpu.memory_space<vmem>> -> memref<4096xf32, #tpu.memory_space<vmem>>
      tpu.enqueue_dma source(%dma_start3A_320 : memref<4096xf32, #tpu.memory_space<vmem>>) target(%dma_start3A_318 : memref<4096xf32, #tpu.memory_space<hbm>>) target_semaphore(%arg10 : memref<!tpu.dma_semaphore, #tpu.memory_space<semaphore_mem>>)
      %mul3A_321 = arith.constant 2 : i32
      %mul3A_322 = arith.muli %scan3A_199, %mul3A_321 : i32
      %add3A_323 = arith.constant 1 : i32
      %add3A_324 = arith.addi %mul3A_322, %add3A_323 : i32
      %mul3A_325 = arith.constant 4 : i32
      %mul3A_326 = arith.muli %add3A_324, %mul3A_325 : i32
      %add3A_327 = arith.constant 0 : i32
      %add3A_328 = arith.addi %mul3A_326, %add3A_327 : i32
      %mul3A_329 = arith.constant 128 : i32
      %mul3A_330 = arith.muli %add3A_328, %mul3A_329 : i32
      %add3A_331 = arith.addi %mul3A_330, %mul3A_4 : i32
      %mul3A_332 = arith.constant 8 : i32
      %mul3A_333 = arith.muli %add3A_331, %mul3A_332 : i32
      %mul3A_334 = arith.constant 128 : i32
      %mul3A_335 = arith.muli %mul3A_333, %mul3A_334 : i32
      %dma_start3A_336 = arith.constant 16384 : i32
      %dma_start3A_337 = tpu.memref_slice %arg7[%dma_start3A_336] : memref<32768xf32, #tpu.memory_space<vmem>> -> memref<4096xf32, #tpu.memory_space<vmem>>
      %dma_start3A_338 = tpu.memref_slice %arg4[%mul3A_335] : memref<26214400xf32, #tpu.memory_space<hbm>> -> memref<4096xf32, #tpu.memory_space<hbm>>
      %dma_start3A_339 = tpu.memref_slice %arg4[%mul3A_335] : memref<26214400xf32, #tpu.memory_space<hbm>> -> memref<4096xf32, #tpu.memory_space<hbm>>
      %dma_start3A_340 = arith.constant 16384 : i32
      %dma_start3A_341 = tpu.memref_slice %arg7[%dma_start3A_340] : memref<32768xf32, #tpu.memory_space<vmem>> -> memref<4096xf32, #tpu.memory_space<vmem>>
      tpu.enqueue_dma source(%dma_start3A_341 : memref<4096xf32, #tpu.memory_space<vmem>>) target(%dma_start3A_339 : memref<4096xf32, #tpu.memory_space<hbm>>) target_semaphore(%arg10 : memref<!tpu.dma_semaphore, #tpu.memory_space<semaphore_mem>>)
      %mul3A_342 = arith.constant 2 : i32
      %mul3A_343 = arith.muli %scan3A_199, %mul3A_342 : i32
      %add3A_344 = arith.constant 1 : i32
      %add3A_345 = arith.addi %mul3A_343, %add3A_344 : i32
      %mul3A_346 = arith.constant 4 : i32
      %mul3A_347 = arith.muli %add3A_345, %mul3A_346 : i32
      %add3A_348 = arith.constant 1 : i32
      %add3A_349 = arith.addi %mul3A_347, %add3A_348 : i32
      %mul3A_350 = arith.constant 128 : i32
      %mul3A_351 = arith.muli %add3A_349, %mul3A_350 : i32
      %add3A_352 = arith.addi %mul3A_351, %mul3A_4 : i32
      %mul3A_353 = arith.constant 8 : i32
      %mul3A_354 = arith.muli %add3A_352, %mul3A_353 : i32
      %mul3A_355 = arith.constant 128 : i32
      %mul3A_356 = arith.muli %mul3A_354, %mul3A_355 : i32
      %dma_start3A_357 = arith.constant 20480 : i32
      %dma_start3A_358 = tpu.memref_slice %arg7[%dma_start3A_357] : memref<32768xf32, #tpu.memory_space<vmem>> -> memref<4096xf32, #tpu.memory_space<vmem>>
      %dma_start3A_359 = tpu.memref_slice %arg4[%mul3A_356] : memref<26214400xf32, #tpu.memory_space<hbm>> -> memref<4096xf32, #tpu.memory_space<hbm>>
      %dma_start3A_360 = tpu.memref_slice %arg4[%mul3A_356] : memref<26214400xf32, #tpu.memory_space<hbm>> -> memref<4096xf32, #tpu.memory_space<hbm>>
      %dma_start3A_361 = arith.constant 20480 : i32
      %dma_start3A_362 = tpu.memref_slice %arg7[%dma_start3A_361] : memref<32768xf32, #tpu.memory_space<vmem>> -> memref<4096xf32, #tpu.memory_space<vmem>>
      tpu.enqueue_dma source(%dma_start3A_362 : memref<4096xf32, #tpu.memory_space<vmem>>) target(%dma_start3A_360 : memref<4096xf32, #tpu.memory_space<hbm>>) target_semaphore(%arg10 : memref<!tpu.dma_semaphore, #tpu.memory_space<semaphore_mem>>)
      %mul3A_363 = arith.constant 2 : i32
      %mul3A_364 = arith.muli %scan3A_199, %mul3A_363 : i32
      %add3A_365 = arith.constant 1 : i32
      %add3A_366 = arith.addi %mul3A_364, %add3A_365 : i32
      %mul3A_367 = arith.constant 4 : i32
      %mul3A_368 = arith.muli %add3A_366, %mul3A_367 : i32
      %add3A_369 = arith.constant 2 : i32
      %add3A_370 = arith.addi %mul3A_368, %add3A_369 : i32
      %mul3A_371 = arith.constant 128 : i32
      %mul3A_372 = arith.muli %add3A_370, %mul3A_371 : i32
      %add3A_373 = arith.addi %mul3A_372, %mul3A_4 : i32
      %mul3A_374 = arith.constant 8 : i32
      %mul3A_375 = arith.muli %add3A_373, %mul3A_374 : i32
      %mul3A_376 = arith.constant 128 : i32
      %mul3A_377 = arith.muli %mul3A_375, %mul3A_376 : i32
      %dma_start3A_378 = arith.constant 24576 : i32
      %dma_start3A_379 = tpu.memref_slice %arg7[%dma_start3A_378] : memref<32768xf32, #tpu.memory_space<vmem>> -> memref<4096xf32, #tpu.memory_space<vmem>>
      %dma_start3A_380 = tpu.memref_slice %arg4[%mul3A_377] : memref<26214400xf32, #tpu.memory_space<hbm>> -> memref<4096xf32, #tpu.memory_space<hbm>>
      %dma_start3A_381 = tpu.memref_slice %arg4[%mul3A_377] : memref<26214400xf32, #tpu.memory_space<hbm>> -> memref<4096xf32, #tpu.memory_space<hbm>>
      %dma_start3A_382 = arith.constant 24576 : i32
      %dma_start3A_383 = tpu.memref_slice %arg7[%dma_start3A_382] : memref<32768xf32, #tpu.memory_space<vmem>> -> memref<4096xf32, #tpu.memory_space<vmem>>
      tpu.enqueue_dma source(%dma_start3A_383 : memref<4096xf32, #tpu.memory_space<vmem>>) target(%dma_start3A_381 : memref<4096xf32, #tpu.memory_space<hbm>>) target_semaphore(%arg10 : memref<!tpu.dma_semaphore, #tpu.memory_space<semaphore_mem>>)
      %mul3A_384 = arith.constant 2 : i32
      %mul3A_385 = arith.muli %scan3A_199, %mul3A_384 : i32
      %add3A_386 = arith.constant 1 : i32
      %add3A_387 = arith.addi %mul3A_385, %add3A_386 : i32
      %mul3A_388 = arith.constant 4 : i32
      %mul3A_389 = arith.muli %add3A_387, %mul3A_388 : i32
      %add3A_390 = arith.constant 3 : i32
      %add3A_391 = arith.addi %mul3A_389, %add3A_390 : i32
      %mul3A_392 = arith.constant 128 : i32
      %mul3A_393 = arith.muli %add3A_391, %mul3A_392 : i32
      %add3A_394 = arith.addi %mul3A_393, %mul3A_4 : i32
      %mul3A_395 = arith.constant 8 : i32
      %mul3A_396 = arith.muli %add3A_394, %mul3A_395 : i32
      %mul3A_397 = arith.constant 128 : i32
      %mul3A_398 = arith.muli %mul3A_396, %mul3A_397 : i32
      %dma_start3A_399 = arith.constant 28672 : i32
      %dma_start3A_400 = tpu.memref_slice %arg7[%dma_start3A_399] : memref<32768xf32, #tpu.memory_space<vmem>> -> memref<4096xf32, #tpu.memory_space<vmem>>
      %dma_start3A_401 = tpu.memref_slice %arg4[%mul3A_398] : memref<26214400xf32, #tpu.memory_space<hbm>> -> memref<4096xf32, #tpu.memory_space<hbm>>
      %dma_start3A_402 = tpu.memref_slice %arg4[%mul3A_398] : memref<26214400xf32, #tpu.memory_space<hbm>> -> memref<4096xf32, #tpu.memory_space<hbm>>
      %dma_start3A_403 = arith.constant 28672 : i32
      %dma_start3A_404 = tpu.memref_slice %arg7[%dma_start3A_403] : memref<32768xf32, #tpu.memory_space<vmem>> -> memref<4096xf32, #tpu.memory_space<vmem>>
      tpu.enqueue_dma source(%dma_start3A_404 : memref<4096xf32, #tpu.memory_space<vmem>>) target(%dma_start3A_402 : memref<4096xf32, #tpu.memory_space<hbm>>) target_semaphore(%arg10 : memref<!tpu.dma_semaphore, #tpu.memory_space<semaphore_mem>>)
    }
    %scan3A_134 = arith.constant 25 : i32
    %dma_wait3A_135 = arith.constant 0 : i32
    %dma_wait3A_136 = tpu.memref_slice %arg7[%dma_wait3A_135] : memref<32768xf32, #tpu.memory_space<vmem>> -> memref<4096xf32, #tpu.memory_space<vmem>>
    %dma_wait3A_137 = arith.constant 0 : i32
    %dma_wait3A_138 = tpu.memref_slice %arg4[%dma_wait3A_137] : memref<26214400xf32, #tpu.memory_space<hbm>> -> memref<4096xf32, #tpu.memory_space<hbm>>
    %dma_wait3A_139 = arith.constant 0 : i32
    %dma_wait3A_140 = tpu.memref_slice %arg4[%dma_wait3A_139] : memref<26214400xf32, #tpu.memory_space<hbm>> -> memref<4096xf32, #tpu.memory_space<hbm>>
    %dma_wait3A_141 = arith.constant 0 : i32
    %dma_wait3A_142 = tpu.memref_slice %arg7[%dma_wait3A_141] : memref<32768xf32, #tpu.memory_space<vmem>> -> memref<4096xf32, #tpu.memory_space<vmem>>
    tpu.wait_dma2 semaphore(%arg10 : memref<!tpu.dma_semaphore, #tpu.memory_space<semaphore_mem>>) src(%dma_wait3A_142 : memref<4096xf32, #tpu.memory_space<vmem>>) dst(%dma_wait3A_140 : memref<4096xf32, #tpu.memory_space<hbm>>)
    %dma_wait3A_143 = arith.constant 0 : i32
    %dma_wait3A_144 = tpu.memref_slice %arg7[%dma_wait3A_143] : memref<32768xf32, #tpu.memory_space<vmem>> -> memref<4096xf32, #tpu.memory_space<vmem>>
    %dma_wait3A_145 = arith.constant 0 : i32
    %dma_wait3A_146 = tpu.memref_slice %arg4[%dma_wait3A_145] : memref<26214400xf32, #tpu.memory_space<hbm>> -> memref<4096xf32, #tpu.memory_space<hbm>>
    %dma_wait3A_147 = arith.constant 0 : i32
    %dma_wait3A_148 = tpu.memref_slice %arg4[%dma_wait3A_147] : memref<26214400xf32, #tpu.memory_space<hbm>> -> memref<4096xf32, #tpu.memory_space<hbm>>
    %dma_wait3A_149 = arith.constant 0 : i32
    %dma_wait3A_150 = tpu.memref_slice %arg7[%dma_wait3A_149] : memref<32768xf32, #tpu.memory_space<vmem>> -> memref<4096xf32, #tpu.memory_space<vmem>>
    tpu.wait_dma2 semaphore(%arg10 : memref<!tpu.dma_semaphore, #tpu.memory_space<semaphore_mem>>) src(%dma_wait3A_150 : memref<4096xf32, #tpu.memory_space<vmem>>) dst(%dma_wait3A_148 : memref<4096xf32, #tpu.memory_space<hbm>>)
    %dma_wait3A_151 = arith.constant 0 : i32
    %dma_wait3A_152 = tpu.memref_slice %arg7[%dma_wait3A_151] : memref<32768xf32, #tpu.memory_space<vmem>> -> memref<4096xf32, #tpu.memory_space<vmem>>
    %dma_wait3A_153 = arith.constant 0 : i32
    %dma_wait3A_154 = tpu.memref_slice %arg4[%dma_wait3A_153] : memref<26214400xf32, #tpu.memory_space<hbm>> -> memref<4096xf32, #tpu.memory_space<hbm>>
    %dma_wait3A_155 = arith.constant 0 : i32
    %dma_wait3A_156 = tpu.memref_slice %arg4[%dma_wait3A_155] : memref<26214400xf32, #tpu.memory_space<hbm>> -> memref<4096xf32, #tpu.memory_space<hbm>>
    %dma_wait3A_157 = arith.constant 0 : i32
    %dma_wait3A_158 = tpu.memref_slice %arg7[%dma_wait3A_157] : memref<32768xf32, #tpu.memory_space<vmem>> -> memref<4096xf32, #tpu.memory_space<vmem>>
    tpu.wait_dma2 semaphore(%arg10 : memref<!tpu.dma_semaphore, #tpu.memory_space<semaphore_mem>>) src(%dma_wait3A_158 : memref<4096xf32, #tpu.memory_space<vmem>>) dst(%dma_wait3A_156 : memref<4096xf32, #tpu.memory_space<hbm>>)
    %dma_wait3A_159 = arith.constant 0 : i32
    %dma_wait3A_160 = tpu.memref_slice %arg7[%dma_wait3A_159] : memref<32768xf32, #tpu.memory_space<vmem>> -> memref<4096xf32, #tpu.memory_space<vmem>>
    %dma_wait3A_161 = arith.constant 0 : i32
    %dma_wait3A_162 = tpu.memref_slice %arg4[%dma_wait3A_161] : memref<26214400xf32, #tpu.memory_space<hbm>> -> memref<4096xf32, #tpu.memory_space<hbm>>
    %dma_wait3A_163 = arith.constant 0 : i32
    %dma_wait3A_164 = tpu.memref_slice %arg4[%dma_wait3A_163] : memref<26214400xf32, #tpu.memory_space<hbm>> -> memref<4096xf32, #tpu.memory_space<hbm>>
    %dma_wait3A_165 = arith.constant 0 : i32
    %dma_wait3A_166 = tpu.memref_slice %arg7[%dma_wait3A_165] : memref<32768xf32, #tpu.memory_space<vmem>> -> memref<4096xf32, #tpu.memory_space<vmem>>
    tpu.wait_dma2 semaphore(%arg10 : memref<!tpu.dma_semaphore, #tpu.memory_space<semaphore_mem>>) src(%dma_wait3A_166 : memref<4096xf32, #tpu.memory_space<vmem>>) dst(%dma_wait3A_164 : memref<4096xf32, #tpu.memory_space<hbm>>)
    %dma_wait3A_167 = arith.constant 0 : i32
    %dma_wait3A_168 = tpu.memref_slice %arg7[%dma_wait3A_167] : memref<32768xf32, #tpu.memory_space<vmem>> -> memref<4096xf32, #tpu.memory_space<vmem>>
    %dma_wait3A_169 = arith.constant 0 : i32
    %dma_wait3A_170 = tpu.memref_slice %arg4[%dma_wait3A_169] : memref<26214400xf32, #tpu.memory_space<hbm>> -> memref<4096xf32, #tpu.memory_space<hbm>>
    %dma_wait3A_171 = arith.constant 0 : i32
    %dma_wait3A_172 = tpu.memref_slice %arg4[%dma_wait3A_171] : memref<26214400xf32, #tpu.memory_space<hbm>> -> memref<4096xf32, #tpu.memory_space<hbm>>
    %dma_wait3A_173 = arith.constant 0 : i32
    %dma_wait3A_174 = tpu.memref_slice %arg7[%dma_wait3A_173] : memref<32768xf32, #tpu.memory_space<vmem>> -> memref<4096xf32, #tpu.memory_space<vmem>>
    tpu.wait_dma2 semaphore(%arg10 : memref<!tpu.dma_semaphore, #tpu.memory_space<semaphore_mem>>) src(%dma_wait3A_174 : memref<4096xf32, #tpu.memory_space<vmem>>) dst(%dma_wait3A_172 : memref<4096xf32, #tpu.memory_space<hbm>>)
    %dma_wait3A_175 = arith.constant 0 : i32
    %dma_wait3A_176 = tpu.memref_slice %arg7[%dma_wait3A_175] : memref<32768xf32, #tpu.memory_space<vmem>> -> memref<4096xf32, #tpu.memory_space<vmem>>
    %dma_wait3A_177 = arith.constant 0 : i32
    %dma_wait3A_178 = tpu.memref_slice %arg4[%dma_wait3A_177] : memref<26214400xf32, #tpu.memory_space<hbm>> -> memref<4096xf32, #tpu.memory_space<hbm>>
    %dma_wait3A_179 = arith.constant 0 : i32
    %dma_wait3A_180 = tpu.memref_slice %arg4[%dma_wait3A_179] : memref<26214400xf32, #tpu.memory_space<hbm>> -> memref<4096xf32, #tpu.memory_space<hbm>>
    %dma_wait3A_181 = arith.constant 0 : i32
    %dma_wait3A_182 = tpu.memref_slice %arg7[%dma_wait3A_181] : memref<32768xf32, #tpu.memory_space<vmem>> -> memref<4096xf32, #tpu.memory_space<vmem>>
    tpu.wait_dma2 semaphore(%arg10 : memref<!tpu.dma_semaphore, #tpu.memory_space<semaphore_mem>>) src(%dma_wait3A_182 : memref<4096xf32, #tpu.memory_space<vmem>>) dst(%dma_wait3A_180 : memref<4096xf32, #tpu.memory_space<hbm>>)
    %dma_wait3A_183 = arith.constant 0 : i32
    %dma_wait3A_184 = tpu.memref_slice %arg7[%dma_wait3A_183] : memref<32768xf32, #tpu.memory_space<vmem>> -> memref<4096xf32, #tpu.memory_space<vmem>>
    %dma_wait3A_185 = arith.constant 0 : i32
    %dma_wait3A_186 = tpu.memref_slice %arg4[%dma_wait3A_185] : memref<26214400xf32, #tpu.memory_space<hbm>> -> memref<4096xf32, #tpu.memory_space<hbm>>
    %dma_wait3A_187 = arith.constant 0 : i32
    %dma_wait3A_188 = tpu.memref_slice %arg4[%dma_wait3A_187] : memref<26214400xf32, #tpu.memory_space<hbm>> -> memref<4096xf32, #tpu.memory_space<hbm>>
    %dma_wait3A_189 = arith.constant 0 : i32
    %dma_wait3A_190 = tpu.memref_slice %arg7[%dma_wait3A_189] : memref<32768xf32, #tpu.memory_space<vmem>> -> memref<4096xf32, #tpu.memory_space<vmem>>
    tpu.wait_dma2 semaphore(%arg10 : memref<!tpu.dma_semaphore, #tpu.memory_space<semaphore_mem>>) src(%dma_wait3A_190 : memref<4096xf32, #tpu.memory_space<vmem>>) dst(%dma_wait3A_188 : memref<4096xf32, #tpu.memory_space<hbm>>)
    %dma_wait3A_191 = arith.constant 0 : i32
    %dma_wait3A_192 = tpu.memref_slice %arg7[%dma_wait3A_191] : memref<32768xf32, #tpu.memory_space<vmem>> -> memref<4096xf32, #tpu.memory_space<vmem>>
    %dma_wait3A_193 = arith.constant 0 : i32
    %dma_wait3A_194 = tpu.memref_slice %arg4[%dma_wait3A_193] : memref<26214400xf32, #tpu.memory_space<hbm>> -> memref<4096xf32, #tpu.memory_space<hbm>>
    %dma_wait3A_195 = arith.constant 0 : i32
    %dma_wait3A_196 = tpu.memref_slice %arg4[%dma_wait3A_195] : memref<26214400xf32, #tpu.memory_space<hbm>> -> memref<4096xf32, #tpu.memory_space<hbm>>
    %dma_wait3A_197 = arith.constant 0 : i32
    %dma_wait3A_198 = tpu.memref_slice %arg7[%dma_wait3A_197] : memref<32768xf32, #tpu.memory_space<vmem>> -> memref<4096xf32, #tpu.memory_space<vmem>>
    tpu.wait_dma2 semaphore(%arg10 : memref<!tpu.dma_semaphore, #tpu.memory_space<semaphore_mem>>) src(%dma_wait3A_198 : memref<4096xf32, #tpu.memory_space<vmem>>) dst(%dma_wait3A_196 : memref<4096xf32, #tpu.memory_space<hbm>>)
    return
  }
}

</mosaic_0001>

<sc_bundles>
// kernel: kernel.3.cloned.1.call-start
scs
__scs_entry_jumppad:
0x0: {  	(pc) =	sbr.rel $0x88, $3  }
0x1: {  	(tag) =	ssettag $0x0;
	lr =	simm.s32 $0x1  }
0x2: {  	[smem:$0x3F9F] =	sst lr;
	_ =	strace $0xD0000000  }
0x3: {  	_ = 	snop  }
0x4: {  	_ = 	snop  }
0x5: {  	_ = 	snop  }
0x6: {  	_ = 	snop  }
0x7: {  	_ = 	snop  }
__scs_overlays_trampoline_lowered:
0x8: {  	[smem:$0x3FAE] =	sst s0  }
0x9: {  	[smem:$0x3FAF] =	sst s1  }
0xa: {  	[smem:$0x3FB0] =	sst s2  }
0xb: {  	[smem:$0x3FB1] =	sst s3  }
0xc: {  	[smem:$0x3FB2] =	sst s4  }
0xd: {  	[smem:$0x3FB3] =	sst s5  }
0xe: {  	[smem:$0x3FB4] =	sst s6  }
0xf: {  	[smem:$0x3FB5] =	sst s7  }
0x10: {  	[smem:$0x3FB6] =	sst s8  }
0x11: {  	[smem:$0x3FB7] =	sst s9;
	s0 =	simm.s32 @!p0 $0x0  }
0x12: {  	s1 =	sld [smem:$0x3F9D];
	s0 =	simm.s32 @p0 $0x1  }
0x13: {  	[smem:$0x3FB8] =	sst s0;
	s0 =	simm.s32 @!p1 $0x0  }
0x14: {  	s2 =	sld [smem:$0x3F9C];
	s0 =	simm.s32 @p1 $0x1  }
0x15: {  	[smem:$0x3FB9] =	sst s0;
	s0 =	simm.s32 @!p2 $0x0  }
0x16: {  	s3 =	sld [smem:$0x3FDB];
	s0 =	simm.s32 @p2 $0x1  }
0x17: {  	s4 =	simm.s32 $0x1BF5;
	[smem:$0x3FBB] =	sst s0  }
0x18: {  	s0 =	sld [smem:$0x3F9E];
	_ =	swait.ge [sflag:s4], $0x0  }
0x19: {  	s7 =	sld [smem:$0x3F9F]  }
0x1a: {  	s8 =	sadd.s32 $0xFFFFE003, lr  }
0x1b: {  	s9 =	sadd.s32 $0xFFFFFEF7, lr;
	s5 =	simm.s32 $0xFFFFFFFF;
	p2 =	slt.u32 s8, $0xFFFFF086  }
0x1c: {  	p1 =	slt.u32 s9, $0xF7A;
	s5 =	simm.s32 @!p2 $0x0  }
0x1d: {  	s5 =	simm.s32 @p1 $0x1;
	p0 =	seq.s32 s7, s2  }
0x1e: {  	s7 =	smul.u32 @!p0 $0xF7A, s2;
	p2 =	seq.s32 @!p0 s5, $0x0  }
0x1f: {  	s9 =	smul.u32 $0xF7A, s1;
	s8 =	simm.s32 @!p0 $0x1BF5;
	p2 =	por !p2, p0  }
0x20: {  	[sflag:s8] =	ssyncset.s32 @!p0 $0xFFFFF086;
	s6 =	sadd.s32 @!p0 s3, s7;
	s7 =	simm.s32 @!p0 $0x108  }
0x21: {  	s3 =	sadd.s32 s3, s9;
	s6 =	sadd.s32 @!p0 $0x88, s6;
	s7 =	simm.s32 @p2 $0x1082  }
0x22: {  	[simem:s7], [sflag:s8] =	dma.local @!p0 [hbm:s6], $0xF7A  }
0x23: {  	s9 =	sor.u32 $0xD0000000, s2;
	s6 =	simm.s32 $0x108;
	_ =	swait.ge @!p0 [sflag:s8], $0x0  }
0x24: {  	s3 =	sadd.s32 $0x88, s3;
	s6 =	simm.s32 @!p1 $0x1082;
	[sflag:s4] =	ssyncset.s32 $0xFFFFF086  }
0x25: {  	[simem:s6], [sflag:s4] =	dma.local [hbm:s3], $0xF7A  }
0x26: {  	[smem:$0x3F9F] =	sst s1;
	(tag) =	ssettag s2;
	_ =	strace s9  }
0x27: {  	s1 =	sld [smem:$0x3FAF]  }
0x28: {  	s2 =	sld [smem:$0x3FB0]  }
0x29: {  	s4 =	sld [smem:$0x3FB2]  }
0x2a: {  	p0 =	seq.s32 s5, $0x0;
	s5 =	sld [smem:$0x3FB3]  }
0x2b: {  	s6 =	sld [smem:$0x3FB4]  }
0x2c: {  	s7 =	sld [smem:$0x3FB5]  }
0x2d: {  	s3 =	simm.s32 $0x108;
	s8 =	sld [smem:$0x3FB6]  }
0x2e: {  	s3 =	simm.s32 @!p0 $0x1082;
	s9 =	sld [smem:$0x3FB7]  }
0x2f: {  	lr =	sadd.s32 s0, s3;
	s0 =	sld [smem:$0x3FAE]  }
0x30: {  	s3 =	sld [smem:$0x3FB1]  }
0x31: {  	[smem:$0x3FBA] =	sst s10  }
0x32: {  	s10 =	sld [smem:$0x3FB8];
	_ =	sdelay $0x3  }
0x33: {  	p0 =	seq.s32 s10, $0x1;
	s10 =	sld [smem:$0x3FBA];
	_ =	sdelay $0x3  }
0x34: {  	[smem:$0x3FBA] =	sst s10  }
0x35: {  	s10 =	sld [smem:$0x3FB9];
	_ =	sdelay $0x3  }
0x36: {  	p1 =	seq.s32 s10, $0x1;
	s10 =	sld [smem:$0x3FBA];
	_ =	sdelay $0x3  }
0x37: {  	[smem:$0x3FBA] =	sst s10  }
0x38: {  	s10 =	sld [smem:$0x3FBB]  }
0x39: {  	_ = 	snop;
	(pc) =	sbr.ind lr, $3  }
0x3a: {  	_ = 	snop  }
0x3b: {  	_ = 	snop  }
0x3c: {  	p2 =	seq.s32 s10, $0x1;
	s10 =	sld [smem:$0x3FBA]  }
0x3d: {  	_ =	shalt  }
0x3e: {  	_ =	shalt  }
0x3f: {  	_ =	shalt  }
0x40: {  	_ =	shalt  }
0x41: {  	_ =	shalt  }
0x42: {  	_ =	shalt  }
0x43: {  	_ =	shalt  }
0x44: {  	_ =	shalt  }
0x45: {  	_ =	shalt  }
0x46: {  	_ =	shalt  }
0x47: {  	_ =	shalt  }
0x48: {  	_ =	shalt  }
0x49: {  	_ =	shalt  }
0x4a: {  	_ =	shalt  }
0x4b: {  	_ =	shalt  }
0x4c: {  	_ =	shalt  }
0x4d: {  	_ =	shalt  }
0x4e: {  	_ =	shalt  }
0x4f: {  	_ =	shalt  }
0x50: {  	_ =	shalt  }
0x51: {  	_ =	shalt  }
0x52: {  	_ =	shalt  }
0x53: {  	_ =	shalt  }
0x54: {  	_ =	shalt  }
0x55: {  	_ =	shalt  }
0x56: {  	_ =	shalt  }
0x57: {  	_ =	shalt  }
0x58: {  	_ =	shalt  }
0x59: {  	_ =	shalt  }
0x5a: {  	_ =	shalt  }
0x5b: {  	_ =	shalt  }
0x5c: {  	_ =	shalt  }
0x5d: {  	_ =	shalt  }
0x5e: {  	_ =	shalt  }
0x5f: {  	_ =	shalt  }
0x60: {  	_ =	shalt  }
0x61: {  	_ =	shalt  }
0x62: {  	_ =	shalt  }
0x63: {  	_ =	shalt  }
0x64: {  	_ =	shalt  }
0x65: {  	_ =	shalt  }
0x66: {  	_ =	shalt  }
0x67: {  	_ =	shalt  }
0x68: {  	_ =	shalt  }
0x69: {  	_ =	shalt  }
0x6a: {  	_ =	shalt  }
0x6b: {  	_ =	shalt  }
0x6c: {  	_ =	shalt  }
0x6d: {  	_ =	shalt  }
0x6e: {  	_ =	shalt  }
0x6f: {  	_ =	shalt  }
0x70: {  	_ =	shalt  }
0x71: {  	_ =	shalt  }
0x72: {  	_ =	shalt  }
0x73: {  	_ =	shalt  }
0x74: {  	_ =	shalt  }
0x75: {  	_ =	shalt  }
0x76: {  	_ =	shalt  }
0x77: {  	_ =	shalt  }
0x78: {  	_ =	shalt  }
0x79: {  	_ =	shalt  }
0x7a: {  	_ =	shalt  }
0x7b: {  	_ =	shalt  }
0x7c: {  	_ =	shalt  }
0x7d: {  	_ =	shalt  }
0x7e: {  	_ =	shalt  }
0x7f: {  	_ =	shalt  }
0x80: {  	_ =	shalt  }
0x81: {  	_ =	shalt  }
0x82: {  	_ =	shalt  }
0x83: {  	_ =	shalt  }
0x84: {  	_ =	shalt  }
0x85: {  	_ =	shalt  }
0x86: {  	_ =	shalt  }
0x87: {  	_ =	shalt  }
.Lfunc_end0:
.L_simem_size_0:
called_computation_lowered:
.L_overlay_start_0:
0x88: {  	s2 =	sld [smem:$0x3FD9]  }
0x89: {  	s3 =	sld [smem:$0x3FFE];
	_ =	sdelay $0x1  }
0x8a: {  	s1 =	srdreg.scid  }
0x8b: {  	s0 =	sand.u32 $0x1, s1  }
0x8c: {  	s17 =	sshll.u32 s0, $0xA;
	s2 =	sadd.s32 s3, s2  }
0x8d: {  	s2 =	sadd.s32 s2, s17  }
0x8e: {  	[smem:$0x3FC6] =	sst s2  }
0x8f: {  	_ = 	snop  }
0x90: {  	s2 =	sld [smem:$0x3FD0];
	(tm) =	ssettm $0x1  }
0x91: {  	s18 =	sld [smem:$0x3FFB];
	_ =	sdelay $0x3  }
0x92: {  	_ =	strace s18  }
0x93: {  	s3 =	sld [smem:$0x3FFC];
	_ =	sdelay $0x3  }
0x94: {  	_ =	strace s3  }
0x95: {  	s3 =	sld [smem:$0x3FFD];
	_ =	sdelay $0x3  }
0x96: {  	_ =	strace s3  }
0x97: {  	_ =	strace $0x8FFFFFFF  }
0x98: {  	s19 =	sld [smem:$0x3FDB];
	_ =	sdelay $0x1  }
0x99: {  	s4 =	simm.s32 $_scs_section_size  }
0x9a: {  	s5 =	simm.s32 $_size__tile_overlayer_lowered;
	s6 =	simm.s32 $_tile_overlayer_lowered  }
0x9b: {  	s22 =	simm.s32 $0x1BFF;
	s21 =	sshll.u32 s6, $0x1;
	s3 =	sadd.s32 s4, s19  }
0x9c: {  	s7 =	simm.s32 $0x0;
	s20 =	sshll.u32 s5, $0x1;
	s5 =	sadd.s32 s21, s3  }
0x9d: {  	[timem:s7], [sflag:s22] =	dma.local [hbm:s5], s20  }
0x9e: {  	_ =	swait.ge [sflag:s22], s20  }
0x9f: {  	s4 =	ssub.s32 $0x0, s20;
	[sflag:s22] =	ssyncset.done $0x0  }
0xa0: {  	[sflag:s22] =	ssyncadd.s32 s4;
	_ =	sdelay $0x1  }
0xa1: {  	s23 =	simm.s32 $0x1B8B  }
0xa2: {  	_ =	swait.ge [sflag:s23], $0x1  }
0xa3: {  	[sflag:s23] =	ssyncset.done $0x0  }
0xa4: {  	s25 =	simm.s32 $0x1B8E;
	s24 =	sld [smem:$0x3FFE];
	[sflag:s23] =	ssyncadd.s32 $0xFFFFFFFF  }
0xa5: {  	s26 =	simm.s32 $execute0_lowered;
	[smem:$0x3FD2] =	sst s25  }
0xa6: {  	s5 =	sshll.u32 s26, $0x1;
	_ =	strace $0x80000046;
	[dreg:$0x1] =	wrdreg $0xFFFFFFFF  }
0xa7: {  	s28 =	simm.s32 $_size_execute0_lowered;
	s3 =	sadd.s32 s3, s5;
	[dreg:$0x0] =	wrdreg $0x0  }
0xa8: {  	s5 =	sshll.u32 s28, $0x1;
	[dreg:$0x2] =	wrdreg s3  }
0xa9: {  	[dreg:$0x3] =	wrdreg s5  }
0xaa: {  	[dreg:$0x4] =	wrdreg $0xC0  }
0xab: {  	_ =	task [dreg:s7], $0x5FFFF  }
0xac: {  	[dreg:$0x1] =	wrdreg $0xFFFFFFFF  }
0xad: {  	[dreg:$0x0] =	wrdreg $0x60  }
0xae: {  	[dreg:$0x2] =	wrdreg s24  }
0xaf: {  	[dreg:$0x3] =	wrdreg s2  }
0xb0: {  	[dreg:$0x4] =	wrdreg $0x9  }
0xb1: {  	_ =	task.clear_ibuf [dreg:s7], $0x5FFFF;
	_ =	strace $0x90000046  }
0xb2: {  	s29 =	simm.s32 $0x9;
	_ =	strace $0x80000048  }
0xb3: {  	_ =	swait.ge [sflag:s29], $0x1  }
0xb4: {  	[sflag:s29] =	ssyncadd.s32 $0xFFFFFFFF  }
0xb5: {  	_ =	strace $0x90000048  }
0xb6: {  	_ =	sfence  }
0xb7: {  	s30 =	sld [smem:$0x0];
	_ =	sdelay $0x2  }
0xb8: {  	s31 =	sshll.u32 s1, $0xD;
	s1 =	sshrl.u32 s1, $0x2  }
0xb9: {  	s3 =	sand.u32 $0x4000, s31;
	s1 =	sadd.s32 s1, s30  }
0xba: {  	s0 =	sor.u32 s3, s0;
	s1 =	sshll.u32 s1, $0x11  }
0xbb: {  	s0 =	sor.u32 s1, s0  }
0xbc: {  	s0 =	sadd.s32 $0x8F2B, s0  }
0xbd: {  	[sflag:s0] =	ssyncadd.remote.s32 $0x1  }
0xbe: {  	_ =	sfence.sel $0xFFFF  }
0xbf: {  	[dreg:$0x0] =	wrdreg $0xFFFFFFFF;
	(pc) =	sbr.abs _section_cstart, $3  }
0xc0: {  	[dreg:$0x1] =	wrdreg $0xFFFFFFFF  }
0xc1: {  	_ =	task.clear_ibuf [dreg:s7], $0x2FFFF;
	_ =	strace $0x9FFFFFFF  }
0xc2: {  	(tm) =	ssettm $0x7FFFFFFF  }
0xc3: {  	_ =	shalt  }
tec
execute0_lowered:
.L_overlay_start_1:
0x0: {  	(tag) =	ssettag $0x1  }
0x1: {  	v0 =	vimm.s32 $0x1380  }
0x2: {  	vm14 =	vcmask $0x300;
	vm13 =	vcmask $0x704;
	vm12 =	vcmask $0xB08  }
0x3: {  	vm11 =	vcmask $0xF0C;
	vm10 =	vcmask $0x1310;
	vm9 =	vcmask $0x1714  }
0x4: {  	vm8 =	vcmask $0x1B18;
	vm7 =	vcmask $0x1F1C;
	vm6 =	vcmask $0x2320  }
0x5: {  	vm5 =	vcmask $0x2724;
	vm4 =	vcmask $0x2B28;
	vm3 =	vcmask $0x2F2C  }
0x6: {  	vm2 =	vcmask $0x3330;
	vm1 =	vcmask $0x3734;
	vm0 =	vcmask $0x3B38  }
0x7: {  	v1 =	vimm.s32 $0x3380;
	v2 =	vimm.s32 $0x1387;
	v3 =	vimm.s32 $0x3387  }
0x8: {  	v0 =	vsel vm14, $0x0, v0;
	v1 =	vsel vm14, $0x2000, v1;
	v2 =	vsel vm14, $0x7, v2  }
0x9: {  	v3 =	vsel vm14, $0x2007, v3;
	v0 =	vsel vm13, $0x80, v0;
	v1 =	vsel vm13, $0x2080, v1  }
0xa: {  	v2 =	vsel vm13, $0x87, v2;
	v3 =	vsel vm13, $0x2087, v3;
	v0 =	vsel vm12, $0x100, v0  }
0xb: {  	v1 =	vsel vm12, $0x2100, v1;
	v2 =	vsel vm12, $0x107, v2;
	v3 =	vsel vm12, $0x2107, v3  }
0xc: {  	s0 =	rddreg [dreg:$0x0];
	v0 =	vsel vm11, $0x180, v0;
	v1 =	vsel vm11, $0x2180, v1;
	v2 =	vsel vm11, $0x187, v2  }
0xd: {  	s6 =	rddreg [dreg:$0x1];
	s2 =	simm.s32 $0x0;
	v3 =	vsel vm11, $0x2187, v3;
	v0 =	vsel vm10, $0x200, v0;
	v1 =	vsel vm10, $0x2200, v1  }
0xe: {  	s1 =	srdreg.scid;
	s4 =	stileid.u32;
	s22 =	simm.s32 $0x1;
	v2 =	vsel vm10, $0x207, v2;
	v3 =	vsel vm10, $0x2207, v3;
	v0 =	vsel vm9, $0x280, v0  }
0xf: {  	s28 =	simm.s32 $0x3;
	s29 =	simm.s32 $0x10800;
	[smem:$0x7FF] =	sst s2;
	v1 =	vsel vm9, $0x2280, v1;
	v2 =	vsel vm9, $0x287, v2;
	v3 =	vsel vm9, $0x2287, v3  }
0x10: {  	s1 =	sand.u32 $0x1, s1;
	s8 =	sadd.s32 $0x600, s0;
	s5 =	sadd.s32 $0xF42A00, s0;
	v0 =	vsel vm8, $0x300, v0;
	v1 =	vsel vm8, $0x2300, v1;
	v2 =	vsel vm8, $0x307, v2  }
0x11: {  	s4 =	sshll.u32 s4, $0x1;
	s0 =	sadd.s32 $0xE00, s0;
	s13 =	sadd.s32 $0x4000, s6;
	v3 =	vsel vm8, $0x2307, v3;
	v0 =	vsel vm7, $0x380, v0;
	v1 =	vsel vm7, $0x2380, v1  }
0x12: {  	s14 =	sadd.s32 $0x8000, s6;
	s15 =	sadd.s32 $0xC000, s6;
	_ =	strace $0x80000047;
	v2 =	vsel vm7, $0x387, v2;
	v3 =	vsel vm7, $0x2387, v3;
	v0 =	vsel vm6, $0x1000, v0  }
0x13: {  	s3 =	ssub.s32 $0x2, s1;
	[dreg:$0x4] =	wrdreg s5;
	s1 =	sor.u32 s1, s4;
	v1 =	vsel vm6, $0x3000, v1;
	v2 =	vsel vm6, $0x1007, v2;
	v3 =	vsel vm6, $0x3007, v3  }
0x14: {  	s16 =	sadd.s32 $0x10000, s6;
	[dreg:$0x3] =	wrdreg s8;
	s4 =	sshll.u32 s1, $0x6;
	v0 =	vsel vm5, $0x1080, v0;
	v1 =	vsel vm5, $0x3080, v1;
	v2 =	vsel vm5, $0x1087, v2  }
0x15: {  	s17 =	sadd.s32 $0x14000, s6;
	[dreg:$0x5] =	wrdreg s0;
	s0 =	sadd.s32 s4, s0;
	v3 =	vsel vm5, $0x3087, v3;
	v0 =	vsel vm4, $0x1100, v0;
	v1 =	vsel vm4, $0x3100, v1  }
0x16: {  	s7 =	sshll.u32 s1, $0x9;
	s24 =	sadd.s32 s8, s4;
	[dreg:$0x7] =	wrdreg s0;
	v2 =	vsel vm4, $0x1107, v2;
	v3 =	vsel vm4, $0x3107, v3;
	v0 =	vsel vm3, $0x1180, v0  }
0x17: {  	s18 =	sadd.s32 $0x18000, s6;
	s30 =	sor.u32 $0x10000, s7;
	[dreg:$0x6] =	wrdreg s24;
	v1 =	vsel vm3, $0x3180, v1;
	v2 =	vsel vm3, $0x1187, v2;
	v3 =	vsel vm3, $0x3187, v3  }
0x18: {  	s23 =	sshrl.u32 s3, $0x1;
	s25 =	sadd.s32 $0x1000, s24;
	[dreg:$0xa] =	wrdreg s30;
	v0 =	vsel vm2, $0x1200, v0;
	v1 =	vsel vm2, $0x3200, v1;
	v2 =	vsel vm2, $0x1207, v2  }
0x19: {  	s3 =	ssub.s32 s3, s23;
	s26 =	sadd.s32 $0x1800, s24;
	[dreg:$0x8] =	wrdreg s25;
	v3 =	vsel vm2, $0x3207, v3;
	v0 =	vsel vm1, $0x1280, v0;
	v1 =	vsel vm1, $0x3280, v1  }
0x1a: {  	s19 =	sadd.s32 $0x1C000, s6;
	s31 =	smax.u32 s3, $0x1;
	[dreg:$0x9] =	wrdreg s26;
	v2 =	vsel vm1, $0x1287, v2;
	v3 =	vsel vm1, $0x3287, v3;
	v0 =	vsel vm0, $0x1300, v0  }
0x1b: {  	s1 =	simm.s32 $0x0;
	[dreg:$0xb] =	wrdreg s31;
	s26 =	simm.s32 $0x2;
	v1 =	vsel vm0, $0x3300, v1;
	v2 =	vsel vm0, $0x1307, v2;
	v3 =	vsel vm0, $0x3307, v3  }
.LBB2_1:
0x1c: {  	[dreg:$0xc] =	wrdreg s1  }
0x1d: {  	s0 =	rddreg [dreg:$0x6]  }
0x1e: {  	[tilespmem:s2], [sflag:$0x1] =	stream.linear.gather [hbm4b:s0+s2], $0x200, $0x38;
	[tilespmem:$0x18800] =	vst v63  }
0x1f: {  	s20 =	rddreg [dreg:$0x7];
	s21 =	simm.s32 $0x200  }
0x20: {  	[tilespmem:s21], [sflag:$0x1] =	stream.linear.gather [hbm4b:s20+s2], $0x200, $0x38;
	[tilespmem:$0x18800] =	vst v63  }
0x21: {  	_ =	swait.ge [sflag:s22], $0x200  }
0x22: {  	[sflag:s22] =	ssyncset.done $0x0  }
0x23: {  	[sflag:s22] =	ssyncadd.s32 $0xFFFFFE00  }
0x24: {  	_ =	swait.ge [sflag:s22], $0x200  }
0x25: {  	s24 =	simm.s32 $0x400;
	[sflag:s22] =	ssyncset.done $0x0  }
0x26: {  	s3 =	simm.s32 $0x800;
	s23 =	rddreg [dreg:$0x4];
	[sflag:s22] =	ssyncadd.s32 $0xFFFFFE00  }
0x27: {  	[tilespmem:s3], [sflag:$0x2] =	stream.indirect.gather [hbm4b:s23+s24], $0x20, s2, s24, $0xb8;
	[tilespmem:$0x18800] =	vst v63  }
0x28: {  	s31 =	simm.s32 $0x600;
	s25 =	rddreg [dreg:$0x8]  }
0x29: {  	[tilespmem:s24], [sflag:$0x1] =	stream.linear.gather [hbm4b:s25+s2], $0x200, $0x38;
	[tilespmem:$0x18800] =	vst v63  }
0x2a: {  	p0 =	por $0x0, $0x0;
	s10 =	simm.s32 $0x0;
	s30 =	rddreg [dreg:$0x9]  }
0x2b: {  	[tilespmem:s31], [sflag:$0x1] =	stream.linear.gather [hbm4b:s30+s2], $0x200, $0x38;
	[tilespmem:$0x18800] =	vst v63  }
.LBB2_2:
0x2c: {  	p1 =	sne.s32 s10, $0x18  }
.Ltmp0:
0x2d: {  	_ = 	snop;
	(pc) =	sbr.rel @p1 .LBB2_4-.Ltmp0, $1  }
0x2e: {  	_ =	sdelay $0x3  }
.Ltmp1:
0x2f: {  	(pc) =	sbr.rel .LBB2_5-.Ltmp1, $4  }
0x30: {  	_ = 	snop  }
0x31: {  	_ =	swait.ge [sflag:s26], $0x8000  }
0x32: {  	[sflag:s26] =	ssyncset.done $0x0  }
0x33: {  	[sflag:s26] =	ssyncadd.s32 $0xFFFF8000  }
.LBB2_4:
0x34: {  	_ =	swait.ge [sflag:s22], $0x200  }
0x35: {  	[sflag:s22] =	ssyncset.done $0x0  }
0x36: {  	[sflag:s22] =	ssyncadd.s32 $0xFFFFFE00  }
0x37: {  	_ =	swait.ge [sflag:s22], $0x200  }
0x38: {  	[sflag:s22] =	ssyncset.done $0x0  }
0x39: {  	s1 =	sand.u32 $0x1, s10;
	s3 =	simm.s32 $0x400;
	[sflag:s22] =	ssyncadd.s32 $0xFFFFFE00  }
0x3a: {  	p1 =	sgt.u32 s10, $0x16;
	s4 =	sxor.u32 $0x1, s1;
	_ =	swait.ge [sflag:s26], $0x8000  }
0x3b: {  	s5 =	sshll.u32 s4, $0xF;
	s4 =	sshll.u32 s4, $0xA;
	[sflag:s26] =	ssyncset.done $0x0  }
0x3c: {  	s5 =	sor.u32 $0x800, s5;
	s0 =	rddreg [dreg:$0x4];
	[sflag:s26] =	ssyncadd.s32 $0xFFFF8000  }
0x3d: {  	[tilespmem:s5], [sflag:$0x2] =	stream.indirect.gather [hbm4b:s0+s3], $0x20, s4, s3, $0xb8;
	[tilespmem:$0x18800] =	vst v63  }
0x3e: {  	s4 =	sshll.u32 @!p1 s10, $0xF;
	s0 =	rddreg [dreg:$0xa]  }
0x3f: {  	s4 =	sadd.s32 @!p1 s0, s4  }
0x40: {  	s1 =	sshll.u32 @!p1 s1, $0xA;
	s0 =	rddreg [dreg:$0x3];
	s4 =	sshrl.u32 @!p1 s4, $0x3  }
0x41: {  	s6 =	simm.s32 @!p1 $0x0;
	s5 =	sadd.s32 @!p1 s0, s4;
	s0 =	rddreg [dreg:$0x5]  }
0x42: {  	[tilespmem:s1], [sflag:$0x1] =	stream.linear.gather @!p1 [hbm4b:s5+s6], $0x200, $0x38;
	[tilespmem:$0x18800] =	vst v63  }
0x43: {  	p2 =	seq.s32 @!p1 s10, $0x0;
	s1 =	sor.u32 @!p1 $0x200, s1;
	s4 =	sadd.s32 @!p1 s4, s0  }
0x44: {  	[tilespmem:s1], [sflag:$0x1] =	stream.linear.gather @!p1 [hbm4b:s4+s6], $0x200, $0x38;
	[tilespmem:$0x18800] =	vst v63  }
0x45: {  	p1 =	por p1, !p2  }
.Ltmp2:
0x46: {  	_ = 	snop;
	(pc) =	sbr.rel @!p1 .LBB2_6-.Ltmp2, $1  }
0x47: {  	_ =	sdelay $0x3  }
.LBB2_5:
0x48: {  	_ =	swait.ge [sflag:s28], $0x1000  }
0x49: {  	[sflag:s28] =	ssyncset.done $0x0  }
0x4a: {  	[sflag:s28] =	ssyncadd.s32 $0xFFFFF000  }
0x4b: {  	_ =	swait.ge [sflag:s28], $0x1000  }
0x4c: {  	[sflag:s28] =	ssyncset.done $0x0  }
0x4d: {  	[sflag:s28] =	ssyncadd.s32 $0xFFFFF000  }
0x4e: {  	_ =	swait.ge [sflag:s28], $0x1000  }
0x4f: {  	[sflag:s28] =	ssyncset.done $0x0  }
0x50: {  	[sflag:s28] =	ssyncadd.s32 $0xFFFFF000  }
0x51: {  	_ =	swait.ge [sflag:s28], $0x1000  }
0x52: {  	[sflag:s28] =	ssyncset.done $0x0  }
0x53: {  	[sflag:s28] =	ssyncadd.s32 $0xFFFFF000  }
0x54: {  	_ =	swait.ge [sflag:s28], $0x1000  }
0x55: {  	[sflag:s28] =	ssyncset.done $0x0  }
0x56: {  	[sflag:s28] =	ssyncadd.s32 $0xFFFFF000  }
0x57: {  	_ =	swait.ge [sflag:s28], $0x1000  }
0x58: {  	[sflag:s28] =	ssyncset.done $0x0  }
0x59: {  	[sflag:s28] =	ssyncadd.s32 $0xFFFFF000  }
0x5a: {  	_ =	swait.ge [sflag:s28], $0x1000  }
0x5b: {  	[sflag:s28] =	ssyncset.done $0x0  }
0x5c: {  	[sflag:s28] =	ssyncadd.s32 $0xFFFFF000  }
0x5d: {  	_ =	swait.ge [sflag:s28], $0x1000  }
0x5e: {  	[sflag:s28] =	ssyncset.done $0x0  }
0x5f: {  	[sflag:s28] =	ssyncadd.s32 $0xFFFFF000  }
.LBB2_6:
0x60: {  	s1 =	simm.s32 $0x1  }
0x61: {  	s1 =	simm.s32 @!p0 $0x0  }
0x62: {  	s12 =	simm.s32 $0x0;
	s5 =	simm.s32 $0x3;
	s1 =	sshll.u32 s1, $0xF  }
0x63: {  	s4 =	sand.u32 $0x4000, s12;
	s8 =	sor.u32 $0x880, s1;
	s1 =	sand.u32 $0xC00, s12  }
0x64: {  	s21 =	simm.s32 $0x5;
	s20 =	sand.u32 $0x7B, s5;
	s1 =	sor.u32 s1, s4;
	v7 =	vld [tilespmem:s8+$0xFFFFFFA0]  }
0x65: {  	s6 =	simm.s32 $0x7;
	s5 =	sand.u32 $0x7D, s21;
	v10 =	vld [tilespmem:s8+$0x60];
	s4 =	sor.u32 s20, s1  }
0x66: {  	s9 =	simm.s32 $0x1;
	s23 =	sand.u32 $0x7F, s6;
	v6 =	vld [tilespmem:s8+$0xFFFFFFE0];
	s11 =	sor.u32 s5, s1;
	v4 =	vor.u32 s4, v0  }
0x67: {  	s9 =	sand.u32 $0x79, s9;
	s12 =	simm.s32 $0x6;
	v11 =	vld [tilespmem:s8+$0x20];
	s6 =	sor.u32 s23, s1;
	v9 =	vor.u32 s11, v0  }
0x68: {  	s24 =	sand.u32 $0x7E, s12;
	v5 =	vld [tilespmem:s8+$0x0];
	s23 =	sor.u32 s9, s1;
	v12 =	vor.u32 s6, v2  }
0x69: {  	s31 =	simm.s32 $0x2;
	v18 =	vld [tilespmem:s8+$0x40];
	s5 =	sor.u32 s24, s1;
	v17 =	vor.u32 s23, v0  }
0x6a: {  	s30 =	simm.s32 $0x4;
	v8 =	vld [tilespmem:s8+$0xFFFFFF80];
	s12 =	sand.u32 $0x7A, s31;
	v19 =	vor.u32 s5, v0  }
0x6b: {  	v13 =	vld [tilespmem:s8+$0xFFFFFFC0];
	s31 =	sand.u32 $0x7C, s30;
	s20 =	simm.s32 $0x0;
	s30 =	sor.u32 s12, s1;
	[tilespmem:v4+s29+$0x0] =	vst.idx.msk $0xffff, v6  }
0x6c: {  	s25 =	sand.u32 $0x78, s20;
	v16 =	vor.u32 s30, v0;
	[tilespmem:v9+s29+$0x0] =	vst.idx.msk $0xffff, v11;
	v14 =	vld [tilespmem:s8+$0xFFFFFFF0]  }
0x6d: {  	v15 =	vor.u32 s4, v1;
	s9 =	sor.u32 s25, s1;
	[tilespmem:v12+s29+$0x0] =	vst.idx.msk $0xffff, v10;
	v6 =	vld [tilespmem:s8+$0x30]  }
0x6e: {  	s12 =	sor.u32 s31, s1;
	s4 =	sadd.s32 $0x100, s8;
	v4 =	vor.u32 s11, v1;
	v9 =	vor.u32 s9, v0;
	[tilespmem:v17+s29+$0x0] =	vst.idx.msk $0xffff, v7;
	v7 =	vld [tilespmem:s8+$0x70]  }
0x6f: {  	s1 =	simm.s32 $0x100;
	s11 =	sadd.s32 $0x1, s10;
	v12 =	vor.u32 s12, v0;
	v10 =	vor.u32 s23, v1;
	[tilespmem:v19+s29+$0x0] =	vst.idx.msk $0xffff, v18;
	s23 =	simm.s32 $0x40;
	v11 =	vld [tilespmem:s8+$0xFFFFFFB0]  }
.LBB2_7:
0x70: {  	s31 =	sand.u32 $0x4000, s1  }
0x71: {  	s0 =	sand.u32 $0xC00, s23;
	s3 =	sadd.s32 $0xB, s20;
	[tilespmem:v16+s29+$0x0] =	vst.idx.msk $0xffff, v13;
	v13 =	vld [tilespmem:s8+$0x50];
	s21 =	smov.u32 s20  }
0x72: {  	s24 =	sadd.s32 $0xC, s20;
	s0 =	sor.u32 s0, s31;
	v17 =	vld [tilespmem:s4+$0xFFFFFFA0];
	s3 =	sand.u32 $0x7B, s3;
	[tilespmem:v15+s29+$0x0] =	vst.idx.msk $0xffff, v14;
	v14 =	vor.u32 s6, v3  }
0x73: {  	s6 =	sadd.s32 $0x9, s20;
	s31 =	sor.u32 s3, s0;
	s3 =	sadd.s32 $0xD, s20;
	[tilespmem:v9+s29+$0x0] =	vst.idx.msk $0xffff, v8;
	v8 =	vld [tilespmem:s8+$0xFFFFFFD0];
	v9 =	vor.u32 s5, v1  }
0x74: {  	v18 =	vor.u32 s30, v1;
	s20 =	sadd.s32 $0x8, s20;
	s5 =	sand.u32 $0x79, s6;
	s6 =	sadd.s32 $0xE, s21;
	v15 =	vor.u32 s31, v0;
	v16 =	vld [tilespmem:s8+$0xFFFFFF90];
	[tilespmem:v12+s29+$0x0] =	vst.idx.msk $0xffff, v5  }
0x75: {  	s25 =	sor.u32 s5, s0;
	s5 =	sand.u32 $0x7E, s6;
	s6 =	sadd.s32 $0xF, s21;
	v12 =	vor.u32 s9, v1;
	[tilespmem:v10+s29+$0x0] =	vst.idx.msk $0xffff, v11;
	v10 =	vor.u32 s12, v1;
	v11 =	vld [tilespmem:s8+$0x10]  }
0x76: {  	s9 =	sadd.s32 $0xA, s21;
	s3 =	sand.u32 $0x7D, s3;
	s8 =	sand.u32 $0x78, s20;
	v19 =	vor.u32 s25, v0;
	v20 =	vld [tilespmem:s4+$0x60];
	[tilespmem:v4+s29+$0x0] =	vst.idx.msk $0xffff, v6  }
0x77: {  	s12 =	sand.u32 $0x7A, s9;
	s3 =	sor.u32 s3, s0;
	s6 =	sand.u32 $0x7F, s6;
	v6 =	vld [tilespmem:s4+$0xFFFFFFE0];
	[tilespmem:v14+s29+$0x0] =	vst.idx.msk $0xffff, v7  }
0x78: {  	s9 =	sor.u32 s8, s0;
	s8 =	sand.u32 $0x7C, s24;
	v4 =	vor.u32 s3, v1;
	s6 =	sor.u32 s6, s0;
	v7 =	vor.u32 s3, v0;
	v21 =	vld [tilespmem:s4+$0x20];
	[tilespmem:v9+s29+$0x0] =	vst.idx.msk $0xffff, v13  }
0x79: {  	s5 =	sor.u32 s5, s0;
	s30 =	sor.u32 s12, s0;
	s12 =	sor.u32 s8, s0;
	v22 =	vor.u32 s6, v2;
	v5 =	vld [tilespmem:s4+$0x0];
	[tilespmem:v18+s29+$0x0] =	vst.idx.msk $0xffff, v8  }
0x7a: {  	p1 =	slt.u32 s20, $0x3F8;
	s8 =	smov.u32 s4;
	v9 =	vor.u32 s9, v0;
	v18 =	vor.u32 s5, v0;
	v23 =	vld [tilespmem:s4+$0x40];
	[tilespmem:v10+s29+$0x0] =	vst.idx.msk $0xffff, v11  }
0x7b: {  	v8 =	vld [tilespmem:s4+$0xFFFFFF80];
	[tilespmem:v12+s29+$0x0] =	vst.idx.msk $0xffff, v16  }
.Ltmp3:
0x7c: {  	v16 =	vor.u32 s30, v0;
	v13 =	vld [tilespmem:s4+$0xFFFFFFC0];
	[tilespmem:v15+s29+$0x0] =	vst.idx.msk $0xffff, v6;
	(pc) =	sbr.rel @p1 .LBB2_7-.Ltmp3, $4  }
0x7d: {  	v15 =	vor.u32 s31, v1;
	v14 =	vld [tilespmem:s4+$0xFFFFFFF0];
	[tilespmem:v7+s29+$0x0] =	vst.idx.msk $0xffff, v21  }
0x7e: {  	v6 =	vld [tilespmem:s4+$0x30];
	[tilespmem:v22+s29+$0x0] =	vst.idx.msk $0xffff, v20  }
0x7f: {  	v12 =	vor.u32 s12, v0;
	[tilespmem:v19+s29+$0x0] =	vst.idx.msk $0xffff, v17;
	v7 =	vld [tilespmem:s4+$0x70]  }
0x80: {  	s23 =	sadd.s32 $0x40, s23;
	s1 =	sadd.s32 $0x100, s1;
	v10 =	vor.u32 s25, v1;
	s4 =	sadd.s32 $0x100, s4;
	v11 =	vld [tilespmem:s8+$0xFFFFFFB0];
	[tilespmem:v18+s29+$0x0] =	vst.idx.msk $0xffff, v23  }
0x81: {  	_ =	sdelay $0x3  }
0x82: {  	[tilespmem:v16+s29+$0x0] =	vst.idx.msk $0xffff, v13  }
0x83: {  	v56 =	vor.u32 s6, v3;
	[tilespmem:v9+s29+$0x0] =	vst.idx.msk $0xffff, v8  }
0x84: {  	v57 =	vld [tilespmem:s8+$0x50];
	v58 =	vor.u32 s5, v1;
	[tilespmem:v12+s29+$0x0] =	vst.idx.msk $0xffff, v5  }
0x85: {  	v60 =	vor.u32 s30, v1;
	[tilespmem:v15+s29+$0x0] =	vst.idx.msk $0xffff, v14;
	v59 =	vld [tilespmem:s8+$0xFFFFFFD0]  }
0x86: {  	v5 =	vor.u32 s12, v1;
	v61 =	vld [tilespmem:s8+$0x10];
	[tilespmem:v4+s29+$0x0] =	vst.idx.msk $0xffff, v6  }
0x87: {  	v63 =	vor.u32 s9, v1;
	v62 =	vld [tilespmem:s8+$0xFFFFFF90];
	[tilespmem:v10+s29+$0x0] =	vst.idx.msk $0xffff, v11  }
0x88: {  	[tilespmem:v56+s29+$0x0] =	vst.idx.msk $0xffff, v7  }
0x89: {  	[tilespmem:v58+s29+$0x0] =	vst.idx.msk $0xffff, v57  }
0x8a: {  	s0 =	sshll.u32 s10, $0x11;
	[tilespmem:v60+s29+$0x0] =	vst.idx.msk $0xffff, v59  }
0x8b: {  	s1 =	rddreg [dreg:$0x1];
	s0 =	sor.u32 s7, s0;
	[tilespmem:v5+s29+$0x0] =	vst.idx.msk $0xffff, v61  }
0x8c: {  	s1 =	sadd.s32 s1, s0;
	[tilespmem:v63+s29+$0x0] =	vst.idx.msk $0xffff, v62  }
0x8d: {  	[hbm4b:s1+s2] =	stream.linear.scatter [tilespmem:s29], [sflag:$0x3], $0x1000, $0x38;
	[tilespmem:$0x18800] =	vst v63  }
0x8e: {  	s3 =	simm.s32 $0x11800;
	s6 =	sadd.s32 s0, s13  }
0x8f: {  	[hbm4b:s6+s2] =	stream.linear.scatter [tilespmem:s3], [sflag:$0x3], $0x1000, $0x38;
	[tilespmem:$0x18800] =	vst v63  }
0x90: {  	s9 =	simm.s32 $0x12800;
	s8 =	sadd.s32 s0, s14  }
0x91: {  	[hbm4b:s8+s2] =	stream.linear.scatter [tilespmem:s9], [sflag:$0x3], $0x1000, $0x38;
	[tilespmem:$0x18800] =	vst v63  }
0x92: {  	s12 =	simm.s32 $0x13800;
	s10 =	sadd.s32 s0, s15  }
0x93: {  	[hbm4b:s10+s2] =	stream.linear.scatter [tilespmem:s12], [sflag:$0x3], $0x1000, $0x38;
	[tilespmem:$0x18800] =	vst v63  }
0x94: {  	s21 =	simm.s32 $0x14800;
	s20 =	sadd.s32 s0, s16  }
0x95: {  	[hbm4b:s20+s2] =	stream.linear.scatter [tilespmem:s21], [sflag:$0x3], $0x1000, $0x38;
	[tilespmem:$0x18800] =	vst v63  }
0x96: {  	s24 =	simm.s32 $0x15800;
	p1 =	sne.s32 s11, $0x19;
	s23 =	sadd.s32 s0, s17  }
0x97: {  	[hbm4b:s23+s2] =	stream.linear.scatter [tilespmem:s24], [sflag:$0x3], $0x1000, $0x38;
	[tilespmem:$0x18800] =	vst v63  }
.Ltmp4:
0x98: {  	_ = 	snop;
	(pc) =	sbr.rel @p1 .LBB2_2-.Ltmp4, $4  }
0x99: {  	s30 =	simm.s32 $0x16800;
	s31 =	simm.s32 $0x17800;
	s25 =	sadd.s32 s0, s18  }
0x9a: {  	[hbm4b:s25+s2] =	stream.linear.scatter [tilespmem:s30], [sflag:$0x3], $0x1000, $0x38;
	[tilespmem:$0x18800] =	vst v63  }
0x9b: {  	p0 =	por !p0, !p0;
	s0 =	sadd.s32 s0, s19;
	s10 =	smov.u32 s11  }
0x9c: {  	[hbm4b:s0+s2] =	stream.linear.scatter [tilespmem:s31], [sflag:$0x3], $0x1000, $0x38;
	[tilespmem:$0x18800] =	vst v63  }
0x9d: {  	_ =	swait.ge [sflag:s28], $0x1000  }
0x9e: {  	[sflag:s28] =	ssyncset.done $0x0  }
0x9f: {  	[sflag:s28] =	ssyncadd.s32 $0xFFFFF000  }
0xa0: {  	_ =	swait.ge [sflag:s28], $0x1000  }
0xa1: {  	[sflag:s28] =	ssyncset.done $0x0  }
0xa2: {  	[sflag:s28] =	ssyncadd.s32 $0xFFFFF000  }
0xa3: {  	_ =	swait.ge [sflag:s28], $0x1000  }
0xa4: {  	[sflag:s28] =	ssyncset.done $0x0  }
0xa5: {  	[sflag:s28] =	ssyncadd.s32 $0xFFFFF000  }
0xa6: {  	_ =	swait.ge [sflag:s28], $0x1000  }
0xa7: {  	[sflag:s28] =	ssyncset.done $0x0  }
0xa8: {  	[sflag:s28] =	ssyncadd.s32 $0xFFFFF000  }
0xa9: {  	_ =	swait.ge [sflag:s28], $0x1000  }
0xaa: {  	[sflag:s28] =	ssyncset.done $0x0  }
0xab: {  	[sflag:s28] =	ssyncadd.s32 $0xFFFFF000  }
0xac: {  	_ =	swait.ge [sflag:s28], $0x1000  }
0xad: {  	[sflag:s28] =	ssyncset.done $0x0  }
0xae: {  	[sflag:s28] =	ssyncadd.s32 $0xFFFFF000  }
0xaf: {  	_ =	swait.ge [sflag:s28], $0x1000  }
0xb0: {  	[sflag:s28] =	ssyncset.done $0x0  }
0xb1: {  	[sflag:s28] =	ssyncadd.s32 $0xFFFFF000  }
0xb2: {  	_ =	swait.ge [sflag:s28], $0x1000  }
0xb3: {  	s1 =	rddreg [dreg:$0xc]  }
0xb4: {  	s0 =	rddreg [dreg:$0xb];
	s1 =	sadd.s32 $0x1, s1  }
0xb5: {  	p0 =	sne.s32 s1, s0  }
.Ltmp5:
0xb6: {  	_ = 	snop;
	(pc) =	sbr.rel @p0 .LBB2_1-.Ltmp5, $3  }
0xb7: {  	_ =	sdelay $0x1  }
0xb8: {  	[sflag:s28] =	ssyncset.done $0x0  }
0xb9: {  	[sflag:s28] =	ssyncadd.s32 $0xFFFFF000  }
0xba: {  	_ =	sfence.sel $0x180000  }
0xbb: {  	[bflag:$0x0] =	sbarrier.arrive $0xFFFF  }
0xbc: {  	_ =	strace $0x90000047  }
0xbd: {  	s0 =	stileid.u32;
	[bflag:$0x2] =	sbarrier.arrive $0xFFFF  }
0xbe: {  	p0 =	sne.s32 s0, $0x0;
	s0 =	rddreg [dreg:$0x2]  }
0xbf: {  	s0 =	sadd.s32 @!p0 $0x100000, s0  }
0xc0: {  	[sflag:s0] =	ssyncadd.tile.s32 @!p0 $0x1;
	_ =	shalt  }
.Lfunc_end2:
_tile_overlayer_lowered:
.L_overlay_start_2:
0xc1: {  	(tag) =	ssettag $0x2  }
0xc2: {  	s0 =	rddreg [dreg:$0x0];
	s2 =	stileid.u32  }
0xc3: {  	s1 =	rddreg [dreg:$0x1];
	p0 =	sne.s32 s2, $0x0  }
0xc4: {  	s3 =	rddreg [dreg:$0x2];
	[bflag:$0x3] =	sbarrier.arrive $0xFFFF;
	s2 =	simm.s32 @!p0 $0x1C04  }
0xc5: {  	[timem:s3], [sflag:s2] =	dma.local @!p0 [hbm:s0], s1  }
0xc6: {  	s0 =	simm.s32 @!p0 $0x4  }
0xc7: {  	_ =	swait.ge @!p0 [sflag:s0], s1  }
0xc8: {  	s1 =	ssub.s32 @!p0 $0x0, s1;
	[sflag:s0] =	ssyncset.done @!p0 $0x0  }
0xc9: {  	[sflag:s0] =	ssyncadd.s32 @!p0 s1  }
0xca: {  	[bflag:$0x3] =	sbarrier.arrive $0xFFFF  }
0xcb: {  	_ =	shalt  }

</sc_bundles>
